<compile_context>
chip_gen: v7x
topology: tpu7x:2x2x1
jax: 0.10.2.dev20260603
libtpu: 0.0.44.dev20260713+nightly
codegen_flags: <defaults>
</compile_context>

<pallas_src>
import functools

import jax
import jax.numpy as jnp
from jax import lax
from jax.experimental import pallas as pl
from jax.experimental.pallas import tpu as pltpu
from jax.experimental.pallas import tpu_sc as plsc

B = 2
N = 4096
M = 4096
K0, K1 = 16, 32
R0SQ, R1SQ = 0.1 * 0.1, 0.2 * 0.2
FDIM, HDIM, ODIM = 64, 128, 256

NSUB = 16
NQ = N // NSUB
LANES = 16

_mesh = plsc.VectorSubcoreMesh(core_axis_name="c", subcore_axis_name="s",
                               num_cores=2, num_subcores=16)


def _round_bf16(x):
    u = plsc.bitcast(x, jnp.int32)
    bias = 0x7FFF + (lax.shift_right_logical(u, 16) & 1)
    return plsc.bitcast((u + bias) & jnp.int32(-65536), jnp.float32)


@functools.partial(
    pl.kernel,
    out_type=(
        jax.ShapeDtypeStruct((B, NSUB, NQ * K0 * 4), jnp.float32),
        jax.ShapeDtypeStruct((B, NSUB, NQ * K1 * 4), jnp.float32),
    ),
    mesh=_mesh,
    compiler_params=pltpu.CompilerParams(needs_layout_passes=False),
    scratch_types=[
        pltpu.VMEM((M,), jnp.float32),
        pltpu.VMEM((M,), jnp.float32),
        pltpu.VMEM((M,), jnp.float32),
        pltpu.VMEM((M,), jnp.float32),
        pltpu.VMEM((M,), jnp.float32),
        pltpu.VMEM((M,), jnp.float32),
        pltpu.VMEM((M,), jnp.float32),
        pltpu.VMEM((NQ + LANES,), jnp.float32),
        pltpu.VMEM((NQ + LANES,), jnp.float32),
        pltpu.VMEM((NQ + LANES,), jnp.float32),
        pltpu.VMEM((NQ + LANES,), jnp.float32),
        pltpu.VMEM((NQ + LANES,), jnp.float32),
        pltpu.VMEM((NQ + LANES,), jnp.float32),
        pltpu.VMEM((NQ + LANES,), jnp.float32),
        pltpu.VMEM((NQ * K0 * 4 + LANES,), jnp.float32),
        pltpu.VMEM((NQ * K1 * 4 + LANES,), jnp.float32),
        pltpu.VMEM((NQ * K0 + LANES,), jnp.int32),
        pltpu.VMEM((NQ * K1 + LANES,), jnp.int32),
    ],
)
def _ball_query_sc(qx_h, qy_h, qz_h, kx_h, ky_h, kz_h, out0_h, out1_h,
                   kxb, kyb, kzb, kxr, kyr, kzr, kkb,
                   qxb, qyb, qzb, qxr, qyr, qzr, qqb, f0b, f1b, i0b, i1b):
    b = lax.axis_index("c")
    s = lax.axis_index("s")
    pltpu.sync_copy(kx_h.at[b], kxb)
    pltpu.sync_copy(ky_h.at[b], kyb)
    pltpu.sync_copy(kz_h.at[b], kzb)
    pltpu.sync_copy(qx_h.at[b, s], qxb.at[pl.ds(0, NQ)])
    pltpu.sync_copy(qy_h.at[b, s], qyb.at[pl.ds(0, NQ)])
    pltpu.sync_copy(qz_h.at[b, s], qzb.at[pl.ds(0, NQ)])

    iota = lax.iota(jnp.int32, LANES)

    def ksetup(v, _):
        off = v * LANES
        kxv = kxb[pl.ds(off, LANES)]
        kyv = kyb[pl.ds(off, LANES)]
        kzv = kzb[pl.ds(off, LANES)]
        kxr[pl.ds(off, LANES)] = _round_bf16(kxv)
        kyr[pl.ds(off, LANES)] = _round_bf16(kyv)
        kzr[pl.ds(off, LANES)] = _round_bf16(kzv)
        kkb[pl.ds(off, LANES)] = kxv * kxv + kyv * kyv + kzv * kzv
        return 0

    lax.fori_loop(0, M // LANES, ksetup, 0)

    def qsetup(v, _):
        off = v * LANES
        qxv = qxb[pl.ds(off, LANES)]
        qyv = qyb[pl.ds(off, LANES)]
        qzv = qzb[pl.ds(off, LANES)]
        qxr[pl.ds(off, LANES)] = _round_bf16(qxv)
        qyr[pl.ds(off, LANES)] = _round_bf16(qyv)
        qzr[pl.ds(off, LANES)] = _round_bf16(qzv)
        qqb[pl.ds(off, LANES)] = qxv * qxv + qyv * qyv + qzv * qzv
        return 0

    lax.fori_loop(0, NQ // LANES, qsetup, 0)

    zerov = jnp.zeros((LANES,), jnp.int32)

    def qbody(n, _):
        qxn = qxb[pl.ds(n, LANES)][0]
        qyn = qyb[pl.ds(n, LANES)][0]
        qzn = qzb[pl.ds(n, LANES)][0]
        bqx = qxr[pl.ds(n, LANES)][0]
        bqy = qyr[pl.ds(n, LANES)][0]
        bqz = qzr[pl.ds(n, LANES)][0]
        qqn = qqb[pl.ds(n, LANES)][0]
        ib0 = n * K0
        ib1 = n * K1
        fb0 = n * (K0 * 4)
        fb1 = n * (K1 * 4)

        cb0z = jnp.broadcast_to(ib0 - 1, (LANES,))
        cb1z = jnp.broadcast_to(ib1 - 1, (LANES,))

        @plsc.parallel_loop(0, M // LANES, unroll=4, carry=(cb0z, cb1z))
        def vloop(v, carry):
            cb0, cb1 = carry
            off = v * LANES
            dot = (bqx * kxr[pl.ds(off, LANES)]
                   + bqy * kyr[pl.ds(off, LANES)]
                   + bqz * kzr[pl.ds(off, LANES)])
            d2m = (qqn + kkb[pl.ds(off, LANES)]) - 2.0 * dot
            keyidx = iota + off
            m0 = d2m <= R0SQ
            m1 = d2m <= R1SQ
            r0 = plsc.cumsum(m0.astype(jnp.int32))
            r1 = plsc.cumsum(m1.astype(jnp.int32))
            p0 = cb0 + r0
            p1 = cb1 + r1
            keep0 = m0 & (p0 < ib0 + K0)
            keep1 = m1 & (p1 < ib1 + K1)
            plsc.store_scatter(i0b, [jnp.minimum(p0, ib0 + K0 - 1)],
                               keyidx, mask=keep0)
            plsc.store_scatter(i1b, [jnp.minimum(p1, ib1 + K1 - 1)],
                               keyidx, mask=keep1)
            return (cb0 + plsc.all_reduce_population_count(m0),
                    cb1 + plsc.all_reduce_population_count(m1))

        cb0, cb1 = vloop
        cnt0v = cb0 - (ib0 - 1)
        cnt1v = cb1 - (ib1 - 1)

        iv0 = i0b[pl.ds(ib0, LANES)]
        pad0 = jnp.where(cnt0v > 0, jnp.broadcast_to(iv0[0], (LANES,)), zerov)
        idxs0 = jnp.where(iota < cnt0v, iv0, pad0)
        gx = plsc.load_gather(kxb, [idxs0])
        gy = plsc.load_gather(kyb, [idxs0])
        gz = plsc.load_gather(kzb, [idxs0])
        dx = gx - qxn
        dy = gy - qyn
        dz = gz - qzn
        d2 = dx * dx + dy * dy + dz * dz
        base0 = iota * 4 + fb0
        plsc.store_scatter(f0b, [base0], dx)
        plsc.store_scatter(f0b, [base0 + 1], dy)
        plsc.store_scatter(f0b, [base0 + 2], dz)
        plsc.store_scatter(f0b, [base0 + 3], d2)

        iv1a = i1b[pl.ds(ib1, LANES)]
        pad1 = jnp.where(cnt1v > 0, jnp.broadcast_to(iv1a[0], (LANES,)), zerov)
        for g in range(K1 // LANES):
            ivg = i1b[pl.ds(ib1 + g * LANES, LANES)] if g else iv1a
            slot = iota + g * LANES
            idxs1 = jnp.where(slot < cnt1v, ivg, pad1)
            gx = plsc.load_gather(kxb, [idxs1])
            gy = plsc.load_gather(kyb, [idxs1])
            gz = plsc.load_gather(kzb, [idxs1])
            dx = gx - qxn
            dy = gy - qyn
            dz = gz - qzn
            d2 = dx * dx + dy * dy + dz * dz
            base1 = slot * 4 + fb1
            plsc.store_scatter(f1b, [base1], dx)
            plsc.store_scatter(f1b, [base1 + 1], dy)
            plsc.store_scatter(f1b, [base1 + 2], dz)
            plsc.store_scatter(f1b, [base1 + 3], d2)
        return 0

    lax.fori_loop(0, NQ, qbody, 0)
    pltpu.sync_copy(f0b.at[pl.ds(0, NQ * K0 * 4)], out0_h.at[b, s])
    pltpu.sync_copy(f1b.at[pl.ds(0, NQ * K1 * 4)], out1_h.at[b, s])


_TC_ROWS = 256


def _mlp_body(f0_ref, f1_ref, w10_ref, b10_ref, w20_ref, b20_ref,
              w11_ref, b11_ref, w21_ref, b21_ref, wp_ref, bp_ref, out_ref):
    def branch(f_ref, w1_ref, b1_ref, w2_ref, b2_ref, k):
        f = f_ref[0]
        dist = jnp.sqrt(f[:, 3:4] + 1e-12)
        feat = jnp.concatenate([f[:, 0:3], dist], axis=1)
        h = jnp.dot(feat, w1_ref[...], preferred_element_type=jnp.float32)
        h = jnp.maximum(h + b1_ref[...], 0.0)
        h = jnp.dot(h, w2_ref[...], preferred_element_type=jnp.float32)
        h = jnp.maximum(h + b2_ref[...], 0.0)
        return jnp.max(h.reshape(_TC_ROWS, k, HDIM), axis=1)

    g0 = branch(f0_ref, w10_ref, b10_ref, w20_ref, b20_ref, K0)
    g1 = branch(f1_ref, w11_ref, b11_ref, w21_ref, b21_ref, K1)
    g = jnp.concatenate([g0, g1], axis=1)
    out = jnp.dot(g, wp_ref[...], preferred_element_type=jnp.float32)
    out_ref[0] = out + bp_ref[...]


def _mlp_tc(f0, f1, w10, b10, w20, b20, w11, b11, w21, b21, wp, bp):
    grid = (B, N // _TC_ROWS)
    full = lambda r, c: pl.BlockSpec((r, c), lambda i, j: (0, 0))
    return pl.pallas_call(
        _mlp_body,
        grid=grid,
        in_specs=[
            pl.BlockSpec((1, _TC_ROWS * K0, 4), lambda i, j: (i, j, 0)),
            pl.BlockSpec((1, _TC_ROWS * K1, 4), lambda i, j: (i, j, 0)),
            full(4, FDIM), full(1, FDIM),
            full(FDIM, HDIM), full(1, HDIM),
            full(4, FDIM), full(1, FDIM),
            full(FDIM, HDIM), full(1, HDIM),
            full(2 * HDIM, ODIM), full(1, ODIM),
        ],
        out_specs=pl.BlockSpec((1, _TC_ROWS, ODIM), lambda i, j: (i, j, 0)),
        out_shape=jax.ShapeDtypeStruct((B, N, ODIM), jnp.float32),
    )(f0, f1, w10, b10, w20, b20, w11, b11, w21, b21, wp, bp)


def kernel(query_points, key_points, W1_0, b1_0, W2_0, b2_0,
           W1_1, b1_1, W2_1, b2_1, Wp, bp):
    qx = query_points[:, :, 0].reshape(B, NSUB, NQ)
    qy = query_points[:, :, 1].reshape(B, NSUB, NQ)
    qz = query_points[:, :, 2].reshape(B, NSUB, NQ)
    kx = key_points[:, :, 0]
    ky = key_points[:, :, 1]
    kz = key_points[:, :, 2]

    out0, out1 = _ball_query_sc(qx, qy, qz, kx, ky, kz)
    f0 = out0.reshape(B, N * K0, 4)
    f1 = out1.reshape(B, N * K1, 4)

    return _mlp_tc(f0, f1, W1_0, b1_0.reshape(1, FDIM), W2_0,
                   b2_0.reshape(1, HDIM), W1_1, b1_1.reshape(1, FDIM),
                   W2_1, b2_1.reshape(1, HDIM), Wp, bp.reshape(1, ODIM))

# --- scband reference (transcript-rebuilt; emitter-appended) ---
"""Pipeline reference for scband-bqfeature-stack-30648886624908 (READ-ONLY COPY).

The authoritative reference and input builder live on the scoring server;
editing this copy changes nothing except your own understanding.
"""

import jax, jax.numpy as jnp
import numpy as np

RADII = (0.1, 0.2)
NEIGH = (16, 32)
FDIM = 64
HDIM = 128
ODIM = 256


def setup_inputs(seed: int = 0) -> dict:
    key = jax.random.key(seed)
    ks = jax.random.split(key, 16)
    q = jax.random.uniform(ks[0], (2, 4096, 3), dtype=jnp.float32)
    kp = jax.random.uniform(ks[1], (2, 4096, 3), dtype=jnp.float32)

    def lin(k, i, o):
        return jax.random.normal(k, (i, o), jnp.float32) * (1.0 / np.sqrt(i))

    inp = {"query_points": q, "key_points": kp}
    for s in range(2):
        inp[f"W1_{s}"] = lin(ks[2 + 4 * s], 4, FDIM)
        inp[f"b1_{s}"] = jnp.zeros((FDIM,), jnp.float32)
        inp[f"W2_{s}"] = lin(ks[3 + 4 * s], FDIM, HDIM)
        inp[f"b2_{s}"] = jnp.zeros((HDIM,), jnp.float32)
    inp["Wp"] = lin(ks[10], HDIM * 2, ODIM)
    inp["bp"] = jnp.zeros((ODIM,), jnp.float32)
    return inp


def _ball_group(q, kp, radius, k):
    # q: (B, N, 3), kp: (B, M, 3)
    M = kp.shape[1]
    # pairwise squared distances without materializing (B,N,M,3)
    d2 = (jnp.sum(q * q, axis=-1)[:, :, None]
          + jnp.sum(kp * kp, axis=-1)[:, None, :]
          - 2.0 * jnp.einsum('bnd,bmd->bnm', q, kp))
    mask = d2 <= radius * radius
    score = jnp.where(mask, jnp.arange(M)[None, None, :], M)
    idx = jnp.argsort(score, axis=-1)[..., :k]  # first k in-radius indices (ball query)
    valid = jnp.take_along_axis(mask, idx, axis=-1)
    idx = jnp.where(valid, idx, idx[..., :1])  # pad with first found neighbor
    grouped = jax.vmap(lambda pts, ix: pts[ix])(kp, idx)  # (B, N, k, 3) gather
    return grouped


def _processor(q, kp, radius, k, W1, b1, W2, b2):
    grouped = _ball_group(q, kp, radius, k)
    rel = grouped - q[:, :, None, :]
    dist = jnp.sqrt(jnp.sum(rel * rel, axis=-1, keepdims=True) + 1e-12)
    feat = jnp.concatenate([rel, dist], axis=-1)  # (B, N, k, 4)
    h = jax.nn.relu(feat @ W1 + b1)
    h = jax.nn.relu(h @ W2 + b2)
    return jnp.max(h, axis=2)  # (B, N, HDIM)


def reference(query_points, key_points, W1_0, b1_0, W2_0, b2_0, W1_1, b1_1, W2_1, b2_1, Wp, bp):
    f0 = _processor(query_points, key_points, RADII[0], NEIGH[0], W1_0, b1_0, W2_0, b2_0)
    f1 = _processor(query_points, key_points, RADII[1], NEIGH[1], W1_1, b1_1, W2_1, b2_1)
    feats = jnp.concatenate([f0, f1], axis=-1)
    return feats @ Wp + bp

if __name__ == "__main__":
    import jax
    _d = setup_inputs()
    print(jax.jit(kernel)(*tuple(_d.values())))

</pallas_src>

<mosaic_0001>
#map = affine_map<(d0, d1) -> (0, 0, 0)>
#map1 = affine_map<(d0, d1) -> (0, 0)>
module attributes {stable_mosaic.version = 14 : i64} {
  func.func @_ball_query_sc(%arg0: i32, %arg1: i32, %arg2: memref<2x16x256xf32, #tpu.memory_space<hbm>>, %arg3: memref<2x16x256xf32, #tpu.memory_space<hbm>>, %arg4: memref<2x16x256xf32, #tpu.memory_space<hbm>>, %arg5: memref<2x4096xf32, #tpu.memory_space<hbm>>, %arg6: memref<2x4096xf32, #tpu.memory_space<hbm>>, %arg7: memref<2x4096xf32, #tpu.memory_space<hbm>>, %arg8: memref<2x16x16384xf32, #tpu.memory_space<hbm>>, %arg9: memref<2x16x32768xf32, #tpu.memory_space<hbm>>, %arg10: memref<4096xf32, #tpu.memory_space<vmem>>, %arg11: memref<4096xf32, #tpu.memory_space<vmem>>, %arg12: memref<4096xf32, #tpu.memory_space<vmem>>, %arg13: memref<4096xf32, #tpu.memory_space<vmem>>, %arg14: memref<4096xf32, #tpu.memory_space<vmem>>, %arg15: memref<4096xf32, #tpu.memory_space<vmem>>, %arg16: memref<4096xf32, #tpu.memory_space<vmem>>, %arg17: memref<272xf32, #tpu.memory_space<vmem>>, %arg18: memref<272xf32, #tpu.memory_space<vmem>>, %arg19: memref<272xf32, #tpu.memory_space<vmem>>, %arg20: memref<272xf32, #tpu.memory_space<vmem>>, %arg21: memref<272xf32, #tpu.memory_space<vmem>>, %arg22: memref<272xf32, #tpu.memory_space<vmem>>, %arg23: memref<272xf32, #tpu.memory_space<vmem>>, %arg24: memref<16400xf32, #tpu.memory_space<vmem>>, %arg25: memref<32784xf32, #tpu.memory_space<vmem>>, %arg26: memref<4112xi32, #tpu.memory_space<vmem>>, %arg27: memref<8208xi32, #tpu.memory_space<vmem>>) attributes {dimension_semantics = [#tpu.dimension_semantics<core_parallel>, #tpu.dimension_semantics<subcore_parallel>], iteration_bounds = array<i64: 2, 16>, scalar_prefetch = 0 : i64, scratch_operands = 18 : i64, tpu.core_type = #tpu.core_type<sc_vector_subcore>, window_params = [{transform_indices = #map}, {transform_indices = #map}, {transform_indices = #map}, {transform_indices = #map1}, {transform_indices = #map1}, {transform_indices = #map1}, {transform_indices = #map}, {transform_indices = #map}]} {
    "tpu.region"() ({
      %run_scoped3A = tpu.sem_alloc : memref<!tpu.dma_semaphore, #tpu.memory_space<semaphore_mem>>
      %dma_start3A = arith.constant 0 : i32
      %dma_start3A_21 = tpu.memref_slice %arg5[%arg0, %dma_start3A] : memref<2x4096xf32, #tpu.memory_space<hbm>> -> memref<1x4096xf32, #tpu.memory_space<hbm>>
      %dma_start3A_22 = tpu.memref_squeeze %dma_start3A_21 : memref<1x4096xf32, #tpu.memory_space<hbm>> -> memref<4096xf32, #tpu.memory_space<hbm>>
      %dma_start3A_23 = arith.constant 0 : i32
      %dma_start3A_24 = tpu.memref_slice %arg5[%arg0, %dma_start3A_23] : memref<2x4096xf32, #tpu.memory_space<hbm>> -> memref<1x4096xf32, #tpu.memory_space<hbm>>
      %dma_start3A_25 = tpu.memref_squeeze %dma_start3A_24 : memref<1x4096xf32, #tpu.memory_space<hbm>> -> memref<4096xf32, #tpu.memory_space<hbm>>
      tpu.enqueue_dma source(%dma_start3A_25 : memref<4096xf32, #tpu.memory_space<hbm>>) target(%arg10 : memref<4096xf32, #tpu.memory_space<vmem>>) target_semaphore(%run_scoped3A : memref<!tpu.dma_semaphore, #tpu.memory_space<semaphore_mem>>)
      %dma_wait3A = arith.constant 0 : i32
      %dma_wait3A_26 = tpu.memref_slice %arg5[%arg0, %dma_wait3A] : memref<2x4096xf32, #tpu.memory_space<hbm>> -> memref<1x4096xf32, #tpu.memory_space<hbm>>
      %dma_wait3A_27 = tpu.memref_squeeze %dma_wait3A_26 : memref<1x4096xf32, #tpu.memory_space<hbm>> -> memref<4096xf32, #tpu.memory_space<hbm>>
      %dma_wait3A_28 = arith.constant 0 : i32
      %dma_wait3A_29 = tpu.memref_slice %arg5[%arg0, %dma_wait3A_28] : memref<2x4096xf32, #tpu.memory_space<hbm>> -> memref<1x4096xf32, #tpu.memory_space<hbm>>
      %dma_wait3A_30 = tpu.memref_squeeze %dma_wait3A_29 : memref<1x4096xf32, #tpu.memory_space<hbm>> -> memref<4096xf32, #tpu.memory_space<hbm>>
      tpu.wait_dma2 semaphore(%run_scoped3A : memref<!tpu.dma_semaphore, #tpu.memory_space<semaphore_mem>>) src(%dma_wait3A_30 : memref<4096xf32, #tpu.memory_space<hbm>>) dst(%arg10 : memref<4096xf32, #tpu.memory_space<vmem>>)
      tpu.yield
    }) : () -> ()
    "tpu.region"() ({
      %run_scoped3A = tpu.sem_alloc : memref<!tpu.dma_semaphore, #tpu.memory_space<semaphore_mem>>
      %dma_start3A = arith.constant 0 : i32
      %dma_start3A_21 = tpu.memref_slice %arg6[%arg0, %dma_start3A] : memref<2x4096xf32, #tpu.memory_space<hbm>> -> memref<1x4096xf32, #tpu.memory_space<hbm>>
      %dma_start3A_22 = tpu.memref_squeeze %dma_start3A_21 : memref<1x4096xf32, #tpu.memory_space<hbm>> -> memref<4096xf32, #tpu.memory_space<hbm>>
      %dma_start3A_23 = arith.constant 0 : i32
      %dma_start3A_24 = tpu.memref_slice %arg6[%arg0, %dma_start3A_23] : memref<2x4096xf32, #tpu.memory_space<hbm>> -> memref<1x4096xf32, #tpu.memory_space<hbm>>
      %dma_start3A_25 = tpu.memref_squeeze %dma_start3A_24 : memref<1x4096xf32, #tpu.memory_space<hbm>> -> memref<4096xf32, #tpu.memory_space<hbm>>
      tpu.enqueue_dma source(%dma_start3A_25 : memref<4096xf32, #tpu.memory_space<hbm>>) target(%arg11 : memref<4096xf32, #tpu.memory_space<vmem>>) target_semaphore(%run_scoped3A : memref<!tpu.dma_semaphore, #tpu.memory_space<semaphore_mem>>)
      %dma_wait3A = arith.constant 0 : i32
      %dma_wait3A_26 = tpu.memref_slice %arg6[%arg0, %dma_wait3A] : memref<2x4096xf32, #tpu.memory_space<hbm>> -> memref<1x4096xf32, #tpu.memory_space<hbm>>
      %dma_wait3A_27 = tpu.memref_squeeze %dma_wait3A_26 : memref<1x4096xf32, #tpu.memory_space<hbm>> -> memref<4096xf32, #tpu.memory_space<hbm>>
      %dma_wait3A_28 = arith.constant 0 : i32
      %dma_wait3A_29 = tpu.memref_slice %arg6[%arg0, %dma_wait3A_28] : memref<2x4096xf32, #tpu.memory_space<hbm>> -> memref<1x4096xf32, #tpu.memory_space<hbm>>
      %dma_wait3A_30 = tpu.memref_squeeze %dma_wait3A_29 : memref<1x4096xf32, #tpu.memory_space<hbm>> -> memref<4096xf32, #tpu.memory_space<hbm>>
      tpu.wait_dma2 semaphore(%run_scoped3A : memref<!tpu.dma_semaphore, #tpu.memory_space<semaphore_mem>>) src(%dma_wait3A_30 : memref<4096xf32, #tpu.memory_space<hbm>>) dst(%arg11 : memref<4096xf32, #tpu.memory_space<vmem>>)
      tpu.yield
    }) : () -> ()
    "tpu.region"() ({
      %run_scoped3A = tpu.sem_alloc : memref<!tpu.dma_semaphore, #tpu.memory_space<semaphore_mem>>
      %dma_start3A = arith.constant 0 : i32
      %dma_start3A_21 = tpu.memref_slice %arg7[%arg0, %dma_start3A] : memref<2x4096xf32, #tpu.memory_space<hbm>> -> memref<1x4096xf32, #tpu.memory_space<hbm>>
      %dma_start3A_22 = tpu.memref_squeeze %dma_start3A_21 : memref<1x4096xf32, #tpu.memory_space<hbm>> -> memref<4096xf32, #tpu.memory_space<hbm>>
      %dma_start3A_23 = arith.constant 0 : i32
      %dma_start3A_24 = tpu.memref_slice %arg7[%arg0, %dma_start3A_23] : memref<2x4096xf32, #tpu.memory_space<hbm>> -> memref<1x4096xf32, #tpu.memory_space<hbm>>
      %dma_start3A_25 = tpu.memref_squeeze %dma_start3A_24 : memref<1x4096xf32, #tpu.memory_space<hbm>> -> memref<4096xf32, #tpu.memory_space<hbm>>
      tpu.enqueue_dma source(%dma_start3A_25 : memref<4096xf32, #tpu.memory_space<hbm>>) target(%arg12 : memref<4096xf32, #tpu.memory_space<vmem>>) target_semaphore(%run_scoped3A : memref<!tpu.dma_semaphore, #tpu.memory_space<semaphore_mem>>)
      %dma_wait3A = arith.constant 0 : i32
      %dma_wait3A_26 = tpu.memref_slice %arg7[%arg0, %dma_wait3A] : memref<2x4096xf32, #tpu.memory_space<hbm>> -> memref<1x4096xf32, #tpu.memory_space<hbm>>
      %dma_wait3A_27 = tpu.memref_squeeze %dma_wait3A_26 : memref<1x4096xf32, #tpu.memory_space<hbm>> -> memref<4096xf32, #tpu.memory_space<hbm>>
      %dma_wait3A_28 = arith.constant 0 : i32
      %dma_wait3A_29 = tpu.memref_slice %arg7[%arg0, %dma_wait3A_28] : memref<2x4096xf32, #tpu.memory_space<hbm>> -> memref<1x4096xf32, #tpu.memory_space<hbm>>
      %dma_wait3A_30 = tpu.memref_squeeze %dma_wait3A_29 : memref<1x4096xf32, #tpu.memory_space<hbm>> -> memref<4096xf32, #tpu.memory_space<hbm>>
      tpu.wait_dma2 semaphore(%run_scoped3A : memref<!tpu.dma_semaphore, #tpu.memory_space<semaphore_mem>>) src(%dma_wait3A_30 : memref<4096xf32, #tpu.memory_space<hbm>>) dst(%arg12 : memref<4096xf32, #tpu.memory_space<vmem>>)
      tpu.yield
    }) : () -> ()
    "tpu.region"() ({
      %run_scoped3A = tpu.sem_alloc : memref<!tpu.dma_semaphore, #tpu.memory_space<semaphore_mem>>
      %dma_start3A = arith.constant 0 : i32
      %dma_start3A_21 = tpu.memref_slice %arg17[%dma_start3A] : memref<272xf32, #tpu.memory_space<vmem>> -> memref<256xf32, #tpu.memory_space<vmem>>
      %dma_start3A_22 = arith.constant 0 : i32
      %dma_start3A_23 = tpu.memref_slice %arg2[%arg0, %arg1, %dma_start3A_22] : memref<2x16x256xf32, #tpu.memory_space<hbm>> -> memref<1x1x256xf32, #tpu.memory_space<hbm>>
      %dma_start3A_24 = tpu.memref_squeeze %dma_start3A_23 : memref<1x1x256xf32, #tpu.memory_space<hbm>> -> memref<256xf32, #tpu.memory_space<hbm>>
      %dma_start3A_25 = arith.constant 0 : i32
      %dma_start3A_26 = tpu.memref_slice %arg17[%dma_start3A_25] : memref<272xf32, #tpu.memory_space<vmem>> -> memref<256xf32, #tpu.memory_space<vmem>>
      %dma_start3A_27 = arith.constant 0 : i32
      %dma_start3A_28 = tpu.memref_slice %arg2[%arg0, %arg1, %dma_start3A_27] : memref<2x16x256xf32, #tpu.memory_space<hbm>> -> memref<1x1x256xf32, #tpu.memory_space<hbm>>
      %dma_start3A_29 = tpu.memref_squeeze %dma_start3A_28 : memref<1x1x256xf32, #tpu.memory_space<hbm>> -> memref<256xf32, #tpu.memory_space<hbm>>
      tpu.enqueue_dma source(%dma_start3A_29 : memref<256xf32, #tpu.memory_space<hbm>>) target(%dma_start3A_26 : memref<256xf32, #tpu.memory_space<vmem>>) target_semaphore(%run_scoped3A : memref<!tpu.dma_semaphore, #tpu.memory_space<semaphore_mem>>)
      %dma_wait3A = arith.constant 0 : i32
      %dma_wait3A_30 = tpu.memref_slice %arg17[%dma_wait3A] : memref<272xf32, #tpu.memory_space<vmem>> -> memref<256xf32, #tpu.memory_space<vmem>>
      %dma_wait3A_31 = arith.constant 0 : i32
      %dma_wait3A_32 = tpu.memref_slice %arg2[%arg0, %arg1, %dma_wait3A_31] : memref<2x16x256xf32, #tpu.memory_space<hbm>> -> memref<1x1x256xf32, #tpu.memory_space<hbm>>
      %dma_wait3A_33 = tpu.memref_squeeze %dma_wait3A_32 : memref<1x1x256xf32, #tpu.memory_space<hbm>> -> memref<256xf32, #tpu.memory_space<hbm>>
      %dma_wait3A_34 = arith.constant 0 : i32
      %dma_wait3A_35 = tpu.memref_slice %arg17[%dma_wait3A_34] : memref<272xf32, #tpu.memory_space<vmem>> -> memref<256xf32, #tpu.memory_space<vmem>>
      %dma_wait3A_36 = arith.constant 0 : i32
      %dma_wait3A_37 = tpu.memref_slice %arg2[%arg0, %arg1, %dma_wait3A_36] : memref<2x16x256xf32, #tpu.memory_space<hbm>> -> memref<1x1x256xf32, #tpu.memory_space<hbm>>
      %dma_wait3A_38 = tpu.memref_squeeze %dma_wait3A_37 : memref<1x1x256xf32, #tpu.memory_space<hbm>> -> memref<256xf32, #tpu.memory_space<hbm>>
      tpu.wait_dma2 semaphore(%run_scoped3A : memref<!tpu.dma_semaphore, #tpu.memory_space<semaphore_mem>>) src(%dma_wait3A_38 : memref<256xf32, #tpu.memory_space<hbm>>) dst(%dma_wait3A_35 : memref<256xf32, #tpu.memory_space<vmem>>)
      tpu.yield
    }) : () -> ()
    "tpu.region"() ({
      %run_scoped3A = tpu.sem_alloc : memref<!tpu.dma_semaphore, #tpu.memory_space<semaphore_mem>>
      %dma_start3A = arith.constant 0 : i32
      %dma_start3A_21 = tpu.memref_slice %arg18[%dma_start3A] : memref<272xf32, #tpu.memory_space<vmem>> -> memref<256xf32, #tpu.memory_space<vmem>>
      %dma_start3A_22 = arith.constant 0 : i32
      %dma_start3A_23 = tpu.memref_slice %arg3[%arg0, %arg1, %dma_start3A_22] : memref<2x16x256xf32, #tpu.memory_space<hbm>> -> memref<1x1x256xf32, #tpu.memory_space<hbm>>
      %dma_start3A_24 = tpu.memref_squeeze %dma_start3A_23 : memref<1x1x256xf32, #tpu.memory_space<hbm>> -> memref<256xf32, #tpu.memory_space<hbm>>
      %dma_start3A_25 = arith.constant 0 : i32
      %dma_start3A_26 = tpu.memref_slice %arg18[%dma_start3A_25] : memref<272xf32, #tpu.memory_space<vmem>> -> memref<256xf32, #tpu.memory_space<vmem>>
      %dma_start3A_27 = arith.constant 0 : i32
      %dma_start3A_28 = tpu.memref_slice %arg3[%arg0, %arg1, %dma_start3A_27] : memref<2x16x256xf32, #tpu.memory_space<hbm>> -> memref<1x1x256xf32, #tpu.memory_space<hbm>>
      %dma_start3A_29 = tpu.memref_squeeze %dma_start3A_28 : memref<1x1x256xf32, #tpu.memory_space<hbm>> -> memref<256xf32, #tpu.memory_space<hbm>>
      tpu.enqueue_dma source(%dma_start3A_29 : memref<256xf32, #tpu.memory_space<hbm>>) target(%dma_start3A_26 : memref<256xf32, #tpu.memory_space<vmem>>) target_semaphore(%run_scoped3A : memref<!tpu.dma_semaphore, #tpu.memory_space<semaphore_mem>>)
      %dma_wait3A = arith.constant 0 : i32
      %dma_wait3A_30 = tpu.memref_slice %arg18[%dma_wait3A] : memref<272xf32, #tpu.memory_space<vmem>> -> memref<256xf32, #tpu.memory_space<vmem>>
      %dma_wait3A_31 = arith.constant 0 : i32
      %dma_wait3A_32 = tpu.memref_slice %arg3[%arg0, %arg1, %dma_wait3A_31] : memref<2x16x256xf32, #tpu.memory_space<hbm>> -> memref<1x1x256xf32, #tpu.memory_space<hbm>>
      %dma_wait3A_33 = tpu.memref_squeeze %dma_wait3A_32 : memref<1x1x256xf32, #tpu.memory_space<hbm>> -> memref<256xf32, #tpu.memory_space<hbm>>
      %dma_wait3A_34 = arith.constant 0 : i32
      %dma_wait3A_35 = tpu.memref_slice %arg18[%dma_wait3A_34] : memref<272xf32, #tpu.memory_space<vmem>> -> memref<256xf32, #tpu.memory_space<vmem>>
      %dma_wait3A_36 = arith.constant 0 : i32
      %dma_wait3A_37 = tpu.memref_slice %arg3[%arg0, %arg1, %dma_wait3A_36] : memref<2x16x256xf32, #tpu.memory_space<hbm>> -> memref<1x1x256xf32, #tpu.memory_space<hbm>>
      %dma_wait3A_38 = tpu.memref_squeeze %dma_wait3A_37 : memref<1x1x256xf32, #tpu.memory_space<hbm>> -> memref<256xf32, #tpu.memory_space<hbm>>
      tpu.wait_dma2 semaphore(%run_scoped3A : memref<!tpu.dma_semaphore, #tpu.memory_space<semaphore_mem>>) src(%dma_wait3A_38 : memref<256xf32, #tpu.memory_space<hbm>>) dst(%dma_wait3A_35 : memref<256xf32, #tpu.memory_space<vmem>>)
      tpu.yield
    }) : () -> ()
    "tpu.region"() ({
      %run_scoped3A = tpu.sem_alloc : memref<!tpu.dma_semaphore, #tpu.memory_space<semaphore_mem>>
      %dma_start3A = arith.constant 0 : i32
      %dma_start3A_21 = tpu.memref_slice %arg19[%dma_start3A] : memref<272xf32, #tpu.memory_space<vmem>> -> memref<256xf32, #tpu.memory_space<vmem>>
      %dma_start3A_22 = arith.constant 0 : i32
      %dma_start3A_23 = tpu.memref_slice %arg4[%arg0, %arg1, %dma_start3A_22] : memref<2x16x256xf32, #tpu.memory_space<hbm>> -> memref<1x1x256xf32, #tpu.memory_space<hbm>>
      %dma_start3A_24 = tpu.memref_squeeze %dma_start3A_23 : memref<1x1x256xf32, #tpu.memory_space<hbm>> -> memref<256xf32, #tpu.memory_space<hbm>>
      %dma_start3A_25 = arith.constant 0 : i32
      %dma_start3A_26 = tpu.memref_slice %arg19[%dma_start3A_25] : memref<272xf32, #tpu.memory_space<vmem>> -> memref<256xf32, #tpu.memory_space<vmem>>
      %dma_start3A_27 = arith.constant 0 : i32
      %dma_start3A_28 = tpu.memref_slice %arg4[%arg0, %arg1, %dma_start3A_27] : memref<2x16x256xf32, #tpu.memory_space<hbm>> -> memref<1x1x256xf32, #tpu.memory_space<hbm>>
      %dma_start3A_29 = tpu.memref_squeeze %dma_start3A_28 : memref<1x1x256xf32, #tpu.memory_space<hbm>> -> memref<256xf32, #tpu.memory_space<hbm>>
      tpu.enqueue_dma source(%dma_start3A_29 : memref<256xf32, #tpu.memory_space<hbm>>) target(%dma_start3A_26 : memref<256xf32, #tpu.memory_space<vmem>>) target_semaphore(%run_scoped3A : memref<!tpu.dma_semaphore, #tpu.memory_space<semaphore_mem>>)
      %dma_wait3A = arith.constant 0 : i32
      %dma_wait3A_30 = tpu.memref_slice %arg19[%dma_wait3A] : memref<272xf32, #tpu.memory_space<vmem>> -> memref<256xf32, #tpu.memory_space<vmem>>
      %dma_wait3A_31 = arith.constant 0 : i32
      %dma_wait3A_32 = tpu.memref_slice %arg4[%arg0, %arg1, %dma_wait3A_31] : memref<2x16x256xf32, #tpu.memory_space<hbm>> -> memref<1x1x256xf32, #tpu.memory_space<hbm>>
      %dma_wait3A_33 = tpu.memref_squeeze %dma_wait3A_32 : memref<1x1x256xf32, #tpu.memory_space<hbm>> -> memref<256xf32, #tpu.memory_space<hbm>>
      %dma_wait3A_34 = arith.constant 0 : i32
      %dma_wait3A_35 = tpu.memref_slice %arg19[%dma_wait3A_34] : memref<272xf32, #tpu.memory_space<vmem>> -> memref<256xf32, #tpu.memory_space<vmem>>
      %dma_wait3A_36 = arith.constant 0 : i32
      %dma_wait3A_37 = tpu.memref_slice %arg4[%arg0, %arg1, %dma_wait3A_36] : memref<2x16x256xf32, #tpu.memory_space<hbm>> -> memref<1x1x256xf32, #tpu.memory_space<hbm>>
      %dma_wait3A_38 = tpu.memref_squeeze %dma_wait3A_37 : memref<1x1x256xf32, #tpu.memory_space<hbm>> -> memref<256xf32, #tpu.memory_space<hbm>>
      tpu.wait_dma2 semaphore(%run_scoped3A : memref<!tpu.dma_semaphore, #tpu.memory_space<semaphore_mem>>) src(%dma_wait3A_38 : memref<256xf32, #tpu.memory_space<hbm>>) dst(%dma_wait3A_35 : memref<256xf32, #tpu.memory_space<vmem>>)
      tpu.yield
    }) : () -> ()
    %iota3A = tpu.iota {dimensions = array<i32: 0>} : vector<16xi32>
    %scan3A = arith.constant 0 : i32
    %scan3A_0 = arith.constant 0 : i32
    %scan3A_1 = arith.constant 256 : i32
    %scan3A_2 = arith.addi %scan3A_0, %scan3A_1 : i32
    %scan3A_3 = arith.constant 1 : i32
    %scan3A_4 = scf.for %scan3A_21 = %scan3A_0 to %scan3A_2 step %scan3A_3 iter_args(%scan3A_22 = %scan3A) -> (i32)  : i32 {
      %mul3A = arith.constant 16 : i32
      %mul3A_23 = arith.muli %scan3A_21, %mul3A : i32
      %get3A = arith.index_cast %mul3A_23 : i32 to index
      %get3A_24 = tpu.vector_load %arg10[%get3A] {strides = array<i32>} : memref<4096xf32, #tpu.memory_space<vmem>>, vector<16xf32>,
      %get3A_25 = arith.index_cast %mul3A_23 : i32 to index
      %get3A_26 = tpu.vector_load %arg11[%get3A_25] {strides = array<i32>} : memref<4096xf32, #tpu.memory_space<vmem>>, vector<16xf32>,
      %get3A_27 = arith.index_cast %mul3A_23 : i32 to index
      %get3A_28 = tpu.vector_load %arg12[%get3A_27] {strides = array<i32>} : memref<4096xf32, #tpu.memory_space<vmem>>, vector<16xf32>,
      %bitcast3A = vector.bitcast %get3A_24 : vector<16xf32> to vector<16xi32>
      %shift_right_logical3A = arith.constant 16 : i32
      %shift_right_logical3A_29 = vector.broadcast %shift_right_logical3A : i32 to vector<16xi32>
      %shift_right_logical3A_30 = arith.shrui %bitcast3A, %shift_right_logical3A_29 : vector<16xi32>
      %and3A = arith.constant 1 : i32
      %and3A_31 = vector.broadcast %and3A : i32 to vector<16xi32>
      %and3A_32 = arith.andi %shift_right_logical3A_30, %and3A_31 : vector<16xi32>
      %add3A = arith.constant 32767 : i32
      %add3A_33 = vector.broadcast %add3A : i32 to vector<16xi32>
      %add3A_34 = arith.addi %add3A_33, %and3A_32 : vector<16xi32>
      %add3A_35 = arith.addi %bitcast3A, %add3A_34 : vector<16xi32>
      %and3A_36 = arith.constant -65536 : i32
      %and3A_37 = vector.broadcast %and3A_36 : i32 to vector<16xi32>
      %and3A_38 = arith.andi %add3A_35, %and3A_37 : vector<16xi32>
      %bitcast3A_39 = vector.bitcast %and3A_38 : vector<16xi32> to vector<16xf32>
      %swap3A = arith.index_cast %mul3A_23 : i32 to index
      %swap3A_40 = tpu.vector_load %arg13[%swap3A] {strides = array<i32>} : memref<4096xf32, #tpu.memory_space<vmem>>, vector<16xf32>,
      tpu.vector_store %arg13[%swap3A], %bitcast3A_39 {strides = array<i32>} : memref<4096xf32, #tpu.memory_space<vmem>>, vector<16xf32>,
      %bitcast3A_41 = vector.bitcast %get3A_26 : vector<16xf32> to vector<16xi32>
      %shift_right_logical3A_42 = arith.constant 16 : i32
      %shift_right_logical3A_43 = vector.broadcast %shift_right_logical3A_42 : i32 to vector<16xi32>
      %shift_right_logical3A_44 = arith.shrui %bitcast3A_41, %shift_right_logical3A_43 : vector<16xi32>
      %and3A_45 = arith.constant 1 : i32
      %and3A_46 = vector.broadcast %and3A_45 : i32 to vector<16xi32>
      %and3A_47 = arith.andi %shift_right_logical3A_44, %and3A_46 : vector<16xi32>
      %add3A_48 = arith.constant 32767 : i32
      %add3A_49 = vector.broadcast %add3A_48 : i32 to vector<16xi32>
      %add3A_50 = arith.addi %add3A_49, %and3A_47 : vector<16xi32>
      %add3A_51 = arith.addi %bitcast3A_41, %add3A_50 : vector<16xi32>
      %and3A_52 = arith.constant -65536 : i32
      %and3A_53 = vector.broadcast %and3A_52 : i32 to vector<16xi32>
      %and3A_54 = arith.andi %add3A_51, %and3A_53 : vector<16xi32>
      %bitcast3A_55 = vector.bitcast %and3A_54 : vector<16xi32> to vector<16xf32>
      %swap3A_56 = arith.index_cast %mul3A_23 : i32 to index
      %swap3A_57 = tpu.vector_load %arg14[%swap3A_56] {strides = array<i32>} : memref<4096xf32, #tpu.memory_space<vmem>>, vector<16xf32>,
      tpu.vector_store %arg14[%swap3A_56], %bitcast3A_55 {strides = array<i32>} : memref<4096xf32, #tpu.memory_space<vmem>>, vector<16xf32>,
      %bitcast3A_58 = vector.bitcast %get3A_28 : vector<16xf32> to vector<16xi32>
      %shift_right_logical3A_59 = arith.constant 16 : i32
      %shift_right_logical3A_60 = vector.broadcast %shift_right_logical3A_59 : i32 to vector<16xi32>
      %shift_right_logical3A_61 = arith.shrui %bitcast3A_58, %shift_right_logical3A_60 : vector<16xi32>
      %and3A_62 = arith.constant 1 : i32
      %and3A_63 = vector.broadcast %and3A_62 : i32 to vector<16xi32>
      %and3A_64 = arith.andi %shift_right_logical3A_61, %and3A_63 : vector<16xi32>
      %add3A_65 = arith.constant 32767 : i32
      %add3A_66 = vector.broadcast %add3A_65 : i32 to vector<16xi32>
      %add3A_67 = arith.addi %add3A_66, %and3A_64 : vector<16xi32>
      %add3A_68 = arith.addi %bitcast3A_58, %add3A_67 : vector<16xi32>
      %and3A_69 = arith.constant -65536 : i32
      %and3A_70 = vector.broadcast %and3A_69 : i32 to vector<16xi32>
      %and3A_71 = arith.andi %add3A_68, %and3A_70 : vector<16xi32>
      %bitcast3A_72 = vector.bitcast %and3A_71 : vector<16xi32> to vector<16xf32>
      %swap3A_73 = arith.index_cast %mul3A_23 : i32 to index
      %swap3A_74 = tpu.vector_load %arg15[%swap3A_73] {strides = array<i32>} : memref<4096xf32, #tpu.memory_space<vmem>>, vector<16xf32>,
      tpu.vector_store %arg15[%swap3A_73], %bitcast3A_72 {strides = array<i32>} : memref<4096xf32, #tpu.memory_space<vmem>>, vector<16xf32>,
      %mul3A_75 = arith.mulf %get3A_24, %get3A_24 : vector<16xf32>
      %mul3A_76 = arith.mulf %get3A_26, %get3A_26 : vector<16xf32>
      %add3A_77 = arith.addf %mul3A_75, %mul3A_76 : vector<16xf32>
      %mul3A_78 = arith.mulf %get3A_28, %get3A_28 : vector<16xf32>
      %add3A_79 = arith.addf %add3A_77, %mul3A_78 : vector<16xf32>
      %swap3A_80 = arith.index_cast %mul3A_23 : i32 to index
      %swap3A_81 = tpu.vector_load %arg16[%swap3A_80] {strides = array<i32>} : memref<4096xf32, #tpu.memory_space<vmem>>, vector<16xf32>,
      tpu.vector_store %arg16[%swap3A_80], %add3A_79 {strides = array<i32>} : memref<4096xf32, #tpu.memory_space<vmem>>, vector<16xf32>,
      %scan3A_82 = arith.constant 0 : i32
      scf.yield %scan3A_82 : i32
    }
    %scan3A_5 = arith.constant 256 : i32
    %scan3A_6 = arith.constant 0 : i32
    %scan3A_7 = arith.constant 0 : i32
    %scan3A_8 = arith.constant 16 : i32
    %scan3A_9 = arith.addi %scan3A_7, %scan3A_8 : i32
    %scan3A_10 = arith.constant 1 : i32
    %scan3A_11 = scf.for %scan3A_21 = %scan3A_7 to %scan3A_9 step %scan3A_10 iter_args(%scan3A_22 = %scan3A_6) -> (i32)  : i32 {
      %mul3A = arith.constant 16 : i32
      %mul3A_23 = arith.muli %scan3A_21, %mul3A : i32
      %get3A = arith.index_cast %mul3A_23 : i32 to index
      %get3A_24 = tpu.vector_load %arg17[%get3A] {strides = array<i32>} : memref<272xf32, #tpu.memory_space<vmem>>, vector<16xf32>,
      %get3A_25 = arith.index_cast %mul3A_23 : i32 to index
      %get3A_26 = tpu.vector_load %arg18[%get3A_25] {strides = array<i32>} : memref<272xf32, #tpu.memory_space<vmem>>, vector<16xf32>,
      %get3A_27 = arith.index_cast %mul3A_23 : i32 to index
      %get3A_28 = tpu.vector_load %arg19[%get3A_27] {strides = array<i32>} : memref<272xf32, #tpu.memory_space<vmem>>, vector<16xf32>,
      %bitcast3A = vector.bitcast %get3A_24 : vector<16xf32> to vector<16xi32>
      %shift_right_logical3A = arith.constant 16 : i32
      %shift_right_logical3A_29 = vector.broadcast %shift_right_logical3A : i32 to vector<16xi32>
      %shift_right_logical3A_30 = arith.shrui %bitcast3A, %shift_right_logical3A_29 : vector<16xi32>
      %and3A = arith.constant 1 : i32
      %and3A_31 = vector.broadcast %and3A : i32 to vector<16xi32>
      %and3A_32 = arith.andi %shift_right_logical3A_30, %and3A_31 : vector<16xi32>
      %add3A = arith.constant 32767 : i32
      %add3A_33 = vector.broadcast %add3A : i32 to vector<16xi32>
      %add3A_34 = arith.addi %add3A_33, %and3A_32 : vector<16xi32>
      %add3A_35 = arith.addi %bitcast3A, %add3A_34 : vector<16xi32>
      %and3A_36 = arith.constant -65536 : i32
      %and3A_37 = vector.broadcast %and3A_36 : i32 to vector<16xi32>
      %and3A_38 = arith.andi %add3A_35, %and3A_37 : vector<16xi32>
      %bitcast3A_39 = vector.bitcast %and3A_38 : vector<16xi32> to vector<16xf32>
      %swap3A = arith.index_cast %mul3A_23 : i32 to index
      %swap3A_40 = tpu.vector_load %arg20[%swap3A] {strides = array<i32>} : memref<272xf32, #tpu.memory_space<vmem>>, vector<16xf32>,
      tpu.vector_store %arg20[%swap3A], %bitcast3A_39 {strides = array<i32>} : memref<272xf32, #tpu.memory_space<vmem>>, vector<16xf32>,
      %bitcast3A_41 = vector.bitcast %get3A_26 : vector<16xf32> to vector<16xi32>
      %shift_right_logical3A_42 = arith.constant 16 : i32
      %shift_right_logical3A_43 = vector.broadcast %shift_right_logical3A_42 : i32 to vector<16xi32>
      %shift_right_logical3A_44 = arith.shrui %bitcast3A_41, %shift_right_logical3A_43 : vector<16xi32>
      %and3A_45 = arith.constant 1 : i32
      %and3A_46 = vector.broadcast %and3A_45 : i32 to vector<16xi32>
      %and3A_47 = arith.andi %shift_right_logical3A_44, %and3A_46 : vector<16xi32>
      %add3A_48 = arith.constant 32767 : i32
      %add3A_49 = vector.broadcast %add3A_48 : i32 to vector<16xi32>
      %add3A_50 = arith.addi %add3A_49, %and3A_47 : vector<16xi32>
      %add3A_51 = arith.addi %bitcast3A_41, %add3A_50 : vector<16xi32>
      %and3A_52 = arith.constant -65536 : i32
      %and3A_53 = vector.broadcast %and3A_52 : i32 to vector<16xi32>
      %and3A_54 = arith.andi %add3A_51, %and3A_53 : vector<16xi32>
      %bitcast3A_55 = vector.bitcast %and3A_54 : vector<16xi32> to vector<16xf32>
      %swap3A_56 = arith.index_cast %mul3A_23 : i32 to index
      %swap3A_57 = tpu.vector_load %arg21[%swap3A_56] {strides = array<i32>} : memref<272xf32, #tpu.memory_space<vmem>>, vector<16xf32>,
      tpu.vector_store %arg21[%swap3A_56], %bitcast3A_55 {strides = array<i32>} : memref<272xf32, #tpu.memory_space<vmem>>, vector<16xf32>,
      %bitcast3A_58 = vector.bitcast %get3A_28 : vector<16xf32> to vector<16xi32>
      %shift_right_logical3A_59 = arith.constant 16 : i32
      %shift_right_logical3A_60 = vector.broadcast %shift_right_logical3A_59 : i32 to vector<16xi32>
      %shift_right_logical3A_61 = arith.shrui %bitcast3A_58, %shift_right_logical3A_60 : vector<16xi32>
      %and3A_62 = arith.constant 1 : i32
      %and3A_63 = vector.broadcast %and3A_62 : i32 to vector<16xi32>
      %and3A_64 = arith.andi %shift_right_logical3A_61, %and3A_63 : vector<16xi32>
      %add3A_65 = arith.constant 32767 : i32
      %add3A_66 = vector.broadcast %add3A_65 : i32 to vector<16xi32>
      %add3A_67 = arith.addi %add3A_66, %and3A_64 : vector<16xi32>
      %add3A_68 = arith.addi %bitcast3A_58, %add3A_67 : vector<16xi32>
      %and3A_69 = arith.constant -65536 : i32
      %and3A_70 = vector.broadcast %and3A_69 : i32 to vector<16xi32>
      %and3A_71 = arith.andi %add3A_68, %and3A_70 : vector<16xi32>
      %bitcast3A_72 = vector.bitcast %and3A_71 : vector<16xi32> to vector<16xf32>
      %swap3A_73 = arith.index_cast %mul3A_23 : i32 to index
      %swap3A_74 = tpu.vector_load %arg22[%swap3A_73] {strides = array<i32>} : memref<272xf32, #tpu.memory_space<vmem>>, vector<16xf32>,
      tpu.vector_store %arg22[%swap3A_73], %bitcast3A_72 {strides = array<i32>} : memref<272xf32, #tpu.memory_space<vmem>>, vector<16xf32>,
      %mul3A_75 = arith.mulf %get3A_24, %get3A_24 : vector<16xf32>
      %mul3A_76 = arith.mulf %get3A_26, %get3A_26 : vector<16xf32>
      %add3A_77 = arith.addf %mul3A_75, %mul3A_76 : vector<16xf32>
      %mul3A_78 = arith.mulf %get3A_28, %get3A_28 : vector<16xf32>
      %add3A_79 = arith.addf %add3A_77, %mul3A_78 : vector<16xf32>
      %swap3A_80 = arith.index_cast %mul3A_23 : i32 to index
      %swap3A_81 = tpu.vector_load %arg23[%swap3A_80] {strides = array<i32>} : memref<272xf32, #tpu.memory_space<vmem>>, vector<16xf32>,
      tpu.vector_store %arg23[%swap3A_80], %add3A_79 {strides = array<i32>} : memref<272xf32, #tpu.memory_space<vmem>>, vector<16xf32>,
      %scan3A_82 = arith.constant 0 : i32
      scf.yield %scan3A_82 : i32
    }
    %scan3A_12 = arith.constant 16 : i32
    %broadcast_in_dim3A = arith.constant 0 : i32
    %broadcast_in_dim3A_13 = vector.broadcast %broadcast_in_dim3A : i32 to vector<16xi32>
    %scan3A_14 = arith.constant 0 : i32
    %scan3A_15 = arith.constant 0 : i32
    %scan3A_16 = arith.constant 256 : i32
    %scan3A_17 = arith.addi %scan3A_15, %scan3A_16 : i32
    %scan3A_18 = arith.constant 1 : i32
    %scan3A_19 = scf.for %scan3A_21 = %scan3A_15 to %scan3A_17 step %scan3A_18 iter_args(%scan3A_22 = %scan3A_14) -> (i32)  : i32 {
      %get3A = arith.index_cast %scan3A_21 : i32 to index
      %get3A_23 = tpu.vector_load %arg17[%get3A] {strides = array<i32>} : memref<272xf32, #tpu.memory_space<vmem>>, vector<16xf32>,
      %slice3A = vector.extract_strided_slice %get3A_23 {offsets = [0], sizes = [1], strides = [1]} : vector<16xf32> to vector<1xf32>
      %squeeze3A = vector.extract %slice3A[0] : f32 from vector<1xf32>
      %get3A_24 = arith.index_cast %scan3A_21 : i32 to index
      %get3A_25 = tpu.vector_load %arg18[%get3A_24] {strides = array<i32>} : memref<272xf32, #tpu.memory_space<vmem>>, vector<16xf32>,
      %slice3A_26 = vector.extract_strided_slice %get3A_25 {offsets = [0], sizes = [1], strides = [1]} : vector<16xf32> to vector<1xf32>
      %squeeze3A_27 = vector.extract %slice3A_26[0] : f32 from vector<1xf32>
      %get3A_28 = arith.index_cast %scan3A_21 : i32 to index
      %get3A_29 = tpu.vector_load %arg19[%get3A_28] {strides = array<i32>} : memref<272xf32, #tpu.memory_space<vmem>>, vector<16xf32>,
      %slice3A_30 = vector.extract_strided_slice %get3A_29 {offsets = [0], sizes = [1], strides = [1]} : vector<16xf32> to vector<1xf32>
      %squeeze3A_31 = vector.extract %slice3A_30[0] : f32 from vector<1xf32>
      %get3A_32 = arith.index_cast %scan3A_21 : i32 to index
      %get3A_33 = tpu.vector_load %arg20[%get3A_32] {strides = array<i32>} : memref<272xf32, #tpu.memory_space<vmem>>, vector<16xf32>,
      %slice3A_34 = vector.extract_strided_slice %get3A_33 {offsets = [0], sizes = [1], strides = [1]} : vector<16xf32> to vector<1xf32>
      %squeeze3A_35 = vector.extract %slice3A_34[0] : f32 from vector<1xf32>
      %get3A_36 = arith.index_cast %scan3A_21 : i32 to index
      %get3A_37 = tpu.vector_load %arg21[%get3A_36] {strides = array<i32>} : memref<272xf32, #tpu.memory_space<vmem>>, vector<16xf32>,
      %slice3A_38 = vector.extract_strided_slice %get3A_37 {offsets = [0], sizes = [1], strides = [1]} : vector<16xf32> to vector<1xf32>
      %squeeze3A_39 = vector.extract %slice3A_38[0] : f32 from vector<1xf32>
      %get3A_40 = arith.index_cast %scan3A_21 : i32 to index
      %get3A_41 = tpu.vector_load %arg22[%get3A_40] {strides = array<i32>} : memref<272xf32, #tpu.memory_space<vmem>>, vector<16xf32>,
      %slice3A_42 = vector.extract_strided_slice %get3A_41 {offsets = [0], sizes = [1], strides = [1]} : vector<16xf32> to vector<1xf32>
      %squeeze3A_43 = vector.extract %slice3A_42[0] : f32 from vector<1xf32>
      %get3A_44 = arith.index_cast %scan3A_21 : i32 to index
      %get3A_45 = tpu.vector_load %arg23[%get3A_44] {strides = array<i32>} : memref<272xf32, #tpu.memory_space<vmem>>, vector<16xf32>,
      %slice3A_46 = vector.extract_strided_slice %get3A_45 {offsets = [0], sizes = [1], strides = [1]} : vector<16xf32> to vector<1xf32>
      %squeeze3A_47 = vector.extract %slice3A_46[0] : f32 from vector<1xf32>
      %mul3A = arith.constant 16 : i32
      %mul3A_48 = arith.muli %scan3A_21, %mul3A : i32
      %mul3A_49 = arith.constant 32 : i32
      %mul3A_50 = arith.muli %scan3A_21, %mul3A_49 : i32
      %mul3A_51 = arith.constant 64 : i32
      %mul3A_52 = arith.muli %scan3A_21, %mul3A_51 : i32
      %mul3A_53 = arith.constant 128 : i32
      %mul3A_54 = arith.muli %scan3A_21, %mul3A_53 : i32
      %sub3A = arith.constant 1 : i32
      %sub3A_55 = arith.subi %mul3A_48, %sub3A : i32
      %broadcast_in_dim3A_56 = vector.broadcast %sub3A_55 : i32 to vector<16xi32>
      %sub3A_57 = arith.constant 1 : i32
      %sub3A_58 = arith.subi %mul3A_50, %sub3A_57 : i32
      %broadcast_in_dim3A_59 = vector.broadcast %sub3A_58 : i32 to vector<16xi32>
      %parallel_loop3A = arith.constant 0 : i32
      %parallel_loop3A_60 = arith.constant 256 : i32
      %parallel_loop3A_61 = arith.constant 1 : i32
      %parallel_loop3A_62:2 = scf.for %parallel_loop3A_185 = %parallel_loop3A to %parallel_loop3A_60 step %parallel_loop3A_61 iter_args(%parallel_loop3A_186 = %broadcast_in_dim3A_56, %parallel_loop3A_187 = %broadcast_in_dim3A_59) -> (vector<16xi32>, vector<16xi32>)  : i32 {
        %parallel_loop3A_188 = arith.constant 16 : i32
        %parallel_loop3A_189 = arith.muli %parallel_loop3A_185, %parallel_loop3A_188 : i32
        %parallel_loop3A_190 = arith.index_cast %parallel_loop3A_189 : i32 to index
        %parallel_loop3A_191 = tpu.vector_load %arg13[%parallel_loop3A_190] {strides = array<i32>} : memref<4096xf32, #tpu.memory_space<vmem>>, vector<16xf32>,
        %parallel_loop3A_192 = vector.broadcast %squeeze3A_35 : f32 to vector<16xf32>
        %parallel_loop3A_193 = arith.mulf %parallel_loop3A_192, %parallel_loop3A_191 : vector<16xf32>
        %parallel_loop3A_194 = arith.index_cast %parallel_loop3A_189 : i32 to index
        %parallel_loop3A_195 = tpu.vector_load %arg14[%parallel_loop3A_194] {strides = array<i32>} : memref<4096xf32, #tpu.memory_space<vmem>>, vector<16xf32>,
        %parallel_loop3A_196 = vector.broadcast %squeeze3A_39 : f32 to vector<16xf32>
        %parallel_loop3A_197 = arith.mulf %parallel_loop3A_196, %parallel_loop3A_195 : vector<16xf32>
        %parallel_loop3A_198 = arith.addf %parallel_loop3A_193, %parallel_loop3A_197 : vector<16xf32>
        %parallel_loop3A_199 = arith.index_cast %parallel_loop3A_189 : i32 to index
        %parallel_loop3A_200 = tpu.vector_load %arg15[%parallel_loop3A_199] {strides = array<i32>} : memref<4096xf32, #tpu.memory_space<vmem>>, vector<16xf32>,
        %parallel_loop3A_201 = vector.broadcast %squeeze3A_43 : f32 to vector<16xf32>
        %parallel_loop3A_202 = arith.mulf %parallel_loop3A_201, %parallel_loop3A_200 : vector<16xf32>
        %parallel_loop3A_203 = arith.addf %parallel_loop3A_198, %parallel_loop3A_202 : vector<16xf32>
        %parallel_loop3A_204 = arith.index_cast %parallel_loop3A_189 : i32 to index
        %parallel_loop3A_205 = tpu.vector_load %arg16[%parallel_loop3A_204] {strides = array<i32>} : memref<4096xf32, #tpu.memory_space<vmem>>, vector<16xf32>,
        %parallel_loop3A_206 = vector.broadcast %squeeze3A_47 : f32 to vector<16xf32>
        %parallel_loop3A_207 = arith.addf %parallel_loop3A_206, %parallel_loop3A_205 : vector<16xf32>
        %parallel_loop3A_208 = arith.constant 2.000000e+00 : f32
        %parallel_loop3A_209 = vector.broadcast %parallel_loop3A_208 : f32 to vector<16xf32>
        %parallel_loop3A_210 = arith.mulf %parallel_loop3A_209, %parallel_loop3A_203 : vector<16xf32>
        %parallel_loop3A_211 = arith.subf %parallel_loop3A_207, %parallel_loop3A_210 : vector<16xf32>
        %parallel_loop3A_212 = vector.broadcast %parallel_loop3A_189 : i32 to vector<16xi32>
        %parallel_loop3A_213 = arith.addi %iota3A, %parallel_loop3A_212 : vector<16xi32>
        %parallel_loop3A_214 = arith.constant 0.00999999977 : f32
        %parallel_loop3A_215 = vector.broadcast %parallel_loop3A_214 : f32 to vector<16xf32>
        %parallel_loop3A_216 = arith.cmpf ole, %parallel_loop3A_211, %parallel_loop3A_215 : vector<16xf32>
        %parallel_loop3A_217 = arith.constant 4.000000e-02 : f32
        %parallel_loop3A_218 = vector.broadcast %parallel_loop3A_217 : f32 to vector<16xf32>
        %parallel_loop3A_219 = arith.cmpf ole, %parallel_loop3A_211, %parallel_loop3A_218 : vector<16xf32>
        %parallel_loop3A_220 = arith.extui %parallel_loop3A_216 : vector<16xi1> to vector<16xi32>
        %parallel_loop3A_221 = arith.constant true
        %parallel_loop3A_222 = vector.broadcast %parallel_loop3A_221 : i1 to vector<16xi1>
        %parallel_loop3A_223 = tpu.scan <sum>, %parallel_loop3A_220 masked %parallel_loop3A_222 : vector<16xi32>, vector<16xi1> -> vector<16xi32>
        %parallel_loop3A_224 = arith.extui %parallel_loop3A_219 : vector<16xi1> to vector<16xi32>
        %parallel_loop3A_225 = arith.constant true
        %parallel_loop3A_226 = vector.broadcast %parallel_loop3A_225 : i1 to vector<16xi1>
        %parallel_loop3A_227 = tpu.scan <sum>, %parallel_loop3A_224 masked %parallel_loop3A_226 : vector<16xi32>, vector<16xi1> -> vector<16xi32>
        %parallel_loop3A_228 = arith.addi %parallel_loop3A_186, %parallel_loop3A_223 : vector<16xi32>
        %parallel_loop3A_229 = arith.addi %parallel_loop3A_187, %parallel_loop3A_227 : vector<16xi32>
        %parallel_loop3A_230 = arith.constant 16 : i32
        %parallel_loop3A_231 = arith.addi %mul3A_48, %parallel_loop3A_230 : i32
        %parallel_loop3A_232 = vector.broadcast %parallel_loop3A_231 : i32 to vector<16xi32>
        %parallel_loop3A_233 = arith.cmpi slt, %parallel_loop3A_228, %parallel_loop3A_232 : vector<16xi32>
        %parallel_loop3A_234 = arith.andi %parallel_loop3A_216, %parallel_loop3A_233 : vector<16xi1>
        %parallel_loop3A_235 = arith.constant 32 : i32
        %parallel_loop3A_236 = arith.addi %mul3A_50, %parallel_loop3A_235 : i32
        %parallel_loop3A_237 = vector.broadcast %parallel_loop3A_236 : i32 to vector<16xi32>
        %parallel_loop3A_238 = arith.cmpi slt, %parallel_loop3A_229, %parallel_loop3A_237 : vector<16xi32>
        %parallel_loop3A_239 = arith.andi %parallel_loop3A_219, %parallel_loop3A_238 : vector<16xi1>
        %parallel_loop3A_240 = arith.constant 16 : i32
        %parallel_loop3A_241 = arith.addi %mul3A_48, %parallel_loop3A_240 : i32
        %parallel_loop3A_242 = arith.constant 1 : i32
        %parallel_loop3A_243 = arith.subi %parallel_loop3A_241, %parallel_loop3A_242 : i32
        %parallel_loop3A_244 = vector.broadcast %parallel_loop3A_243 : i32 to vector<16xi32>
        %parallel_loop3A_245 = arith.minsi %parallel_loop3A_228, %parallel_loop3A_244 : vector<16xi32>
        tpu.vector_store_idx %arg26[%parallel_loop3A_245], %parallel_loop3A_213 masked %parallel_loop3A_234 : memref<4112xi32, #tpu.memory_space<vmem>>[vector<16xi32>], vector<16xi32>, vector<16xi1>
        %parallel_loop3A_246 = arith.constant 32 : i32
        %parallel_loop3A_247 = arith.addi %mul3A_50, %parallel_loop3A_246 : i32
        %parallel_loop3A_248 = arith.constant 1 : i32
        %parallel_loop3A_249 = arith.subi %parallel_loop3A_247, %parallel_loop3A_248 : i32
        %parallel_loop3A_250 = vector.broadcast %parallel_loop3A_249 : i32 to vector<16xi32>
        %parallel_loop3A_251 = arith.minsi %parallel_loop3A_229, %parallel_loop3A_250 : vector<16xi32>
        tpu.vector_store_idx %arg27[%parallel_loop3A_251], %parallel_loop3A_213 masked %parallel_loop3A_239 : memref<8208xi32, #tpu.memory_space<vmem>>[vector<16xi32>], vector<16xi32>, vector<16xi1>
        %parallel_loop3A_252 = tpu.all_reduce %parallel_loop3A_216 {dim = 0 : i64, kind = #tpu.reduction_kind<sum>} : vector<16xi1> -> vector<16xi32>
        %parallel_loop3A_253 = arith.addi %parallel_loop3A_186, %parallel_loop3A_252 : vector<16xi32>
        %parallel_loop3A_254 = tpu.all_reduce %parallel_loop3A_219 {dim = 0 : i64, kind = #tpu.reduction_kind<sum>} : vector<16xi1> -> vector<16xi32>
        %parallel_loop3A_255 = arith.addi %parallel_loop3A_187, %parallel_loop3A_254 : vector<16xi32>
        scf.yield %parallel_loop3A_253, %parallel_loop3A_255 : vector<16xi32>, vector<16xi32>
      } {sc.loop_unroll_factor = 4 : i64, sc.parallel_access}
      %sub3A_63 = arith.constant 1 : i32
      %sub3A_64 = arith.subi %mul3A_48, %sub3A_63 : i32
      %sub3A_65 = vector.broadcast %sub3A_64 : i32 to vector<16xi32>
      %sub3A_66 = arith.subi %parallel_loop3A_62#0, %sub3A_65 : vector<16xi32>
      %sub3A_67 = arith.constant 1 : i32
      %sub3A_68 = arith.subi %mul3A_50, %sub3A_67 : i32
      %sub3A_69 = vector.broadcast %sub3A_68 : i32 to vector<16xi32>
      %sub3A_70 = arith.subi %parallel_loop3A_62#1, %sub3A_69 : vector<16xi32>
      %get3A_71 = arith.index_cast %mul3A_48 : i32 to index
      %get3A_72 = tpu.vector_load %arg26[%get3A_71] {strides = array<i32>} : memref<4112xi32, #tpu.memory_space<vmem>>, vector<16xi32>,
      %gt3A = arith.constant 0 : i32
      %gt3A_73 = vector.broadcast %gt3A : i32 to vector<16xi32>
      %gt3A_74 = arith.cmpi sgt, %sub3A_66, %gt3A_73 : vector<16xi32>
      %slice3A_75 = vector.extract_strided_slice %get3A_72 {offsets = [0], sizes = [1], strides = [1]} : vector<16xi32> to vector<1xi32>
      %squeeze3A_76 = vector.extract %slice3A_75[0] : i32 from vector<1xi32>
      %broadcast_in_dim3A_77 = vector.broadcast %squeeze3A_76 : i32 to vector<16xi32>
      %select_n3A = arith.select %gt3A_74, %broadcast_in_dim3A_77, %broadcast_in_dim3A_13 : vector<16xi1>, vector<16xi32>
      %lt3A = arith.cmpi slt, %iota3A, %sub3A_66 : vector<16xi32>
      %select_n3A_78 = arith.select %lt3A, %get3A_72, %select_n3A : vector<16xi1>, vector<16xi32>
      %gather3A = tpu.vector_load_idx %arg10[%select_n3A_78] : memref<4096xf32, #tpu.memory_space<vmem>>[vector<16xi32>], vector<16xf32>,
      %gather3A_79 = tpu.vector_load_idx %arg11[%select_n3A_78] : memref<4096xf32, #tpu.memory_space<vmem>>[vector<16xi32>], vector<16xf32>,
      %gather3A_80 = tpu.vector_load_idx %arg12[%select_n3A_78] : memref<4096xf32, #tpu.memory_space<vmem>>[vector<16xi32>], vector<16xf32>,
      %sub3A_81 = vector.broadcast %squeeze3A : f32 to vector<16xf32>
      %sub3A_82 = arith.subf %gather3A, %sub3A_81 : vector<16xf32>
      %sub3A_83 = vector.broadcast %squeeze3A_27 : f32 to vector<16xf32>
      %sub3A_84 = arith.subf %gather3A_79, %sub3A_83 : vector<16xf32>
      %sub3A_85 = vector.broadcast %squeeze3A_31 : f32 to vector<16xf32>
      %sub3A_86 = arith.subf %gather3A_80, %sub3A_85 : vector<16xf32>
      %mul3A_87 = arith.mulf %sub3A_82, %sub3A_82 : vector<16xf32>
      %mul3A_88 = arith.mulf %sub3A_84, %sub3A_84 : vector<16xf32>
      %add3A = arith.addf %mul3A_87, %mul3A_88 : vector<16xf32>
      %mul3A_89 = arith.mulf %sub3A_86, %sub3A_86 : vector<16xf32>
      %add3A_90 = arith.addf %add3A, %mul3A_89 : vector<16xf32>
      %mul3A_91 = arith.constant 4 : i32
      %mul3A_92 = vector.broadcast %mul3A_91 : i32 to vector<16xi32>
      %mul3A_93 = arith.muli %iota3A, %mul3A_92 : vector<16xi32>
      %add3A_94 = vector.broadcast %mul3A_52 : i32 to vector<16xi32>
      %add3A_95 = arith.addi %mul3A_93, %add3A_94 : vector<16xi32>
      tpu.vector_store_idx %arg24[%add3A_95], %sub3A_82 : memref<16400xf32, #tpu.memory_space<vmem>>[vector<16xi32>], vector<16xf32>,
      %add3A_96 = arith.constant 1 : i32
      %add3A_97 = vector.broadcast %add3A_96 : i32 to vector<16xi32>
      %add3A_98 = arith.addi %add3A_95, %add3A_97 : vector<16xi32>
      tpu.vector_store_idx %arg24[%add3A_98], %sub3A_84 : memref<16400xf32, #tpu.memory_space<vmem>>[vector<16xi32>], vector<16xf32>,
      %add3A_99 = arith.constant 2 : i32
      %add3A_100 = vector.broadcast %add3A_99 : i32 to vector<16xi32>
      %add3A_101 = arith.addi %add3A_95, %add3A_100 : vector<16xi32>
      tpu.vector_store_idx %arg24[%add3A_101], %sub3A_86 : memref<16400xf32, #tpu.memory_space<vmem>>[vector<16xi32>], vector<16xf32>,
      %add3A_102 = arith.constant 3 : i32
      %add3A_103 = vector.broadcast %add3A_102 : i32 to vector<16xi32>
      %add3A_104 = arith.addi %add3A_95, %add3A_103 : vector<16xi32>
      tpu.vector_store_idx %arg24[%add3A_104], %add3A_90 : memref<16400xf32, #tpu.memory_space<vmem>>[vector<16xi32>], vector<16xf32>,
      %get3A_105 = arith.index_cast %mul3A_50 : i32 to index
      %get3A_106 = tpu.vector_load %arg27[%get3A_105] {strides = array<i32>} : memref<8208xi32, #tpu.memory_space<vmem>>, vector<16xi32>,
      %gt3A_107 = arith.constant 0 : i32
      %gt3A_108 = vector.broadcast %gt3A_107 : i32 to vector<16xi32>
      %gt3A_109 = arith.cmpi sgt, %sub3A_70, %gt3A_108 : vector<16xi32>
      %slice3A_110 = vector.extract_strided_slice %get3A_106 {offsets = [0], sizes = [1], strides = [1]} : vector<16xi32> to vector<1xi32>
      %squeeze3A_111 = vector.extract %slice3A_110[0] : i32 from vector<1xi32>
      %broadcast_in_dim3A_112 = vector.broadcast %squeeze3A_111 : i32 to vector<16xi32>
      %select_n3A_113 = arith.select %gt3A_109, %broadcast_in_dim3A_112, %broadcast_in_dim3A_13 : vector<16xi1>, vector<16xi32>
      %add3A_114 = arith.constant 0 : i32
      %add3A_115 = vector.broadcast %add3A_114 : i32 to vector<16xi32>
      %add3A_116 = arith.addi %iota3A, %add3A_115 : vector<16xi32>
      %lt3A_117 = arith.cmpi slt, %add3A_116, %sub3A_70 : vector<16xi32>
      %select_n3A_118 = arith.select %lt3A_117, %get3A_106, %select_n3A_113 : vector<16xi1>, vector<16xi32>
      %gather3A_119 = tpu.vector_load_idx %arg10[%select_n3A_118] : memref<4096xf32, #tpu.memory_space<vmem>>[vector<16xi32>], vector<16xf32>,
      %gather3A_120 = tpu.vector_load_idx %arg11[%select_n3A_118] : memref<4096xf32, #tpu.memory_space<vmem>>[vector<16xi32>], vector<16xf32>,
      %gather3A_121 = tpu.vector_load_idx %arg12[%select_n3A_118] : memref<4096xf32, #tpu.memory_space<vmem>>[vector<16xi32>], vector<16xf32>,
      %sub3A_122 = vector.broadcast %squeeze3A : f32 to vector<16xf32>
      %sub3A_123 = arith.subf %gather3A_119, %sub3A_122 : vector<16xf32>
      %sub3A_124 = vector.broadcast %squeeze3A_27 : f32 to vector<16xf32>
      %sub3A_125 = arith.subf %gather3A_120, %sub3A_124 : vector<16xf32>
      %sub3A_126 = vector.broadcast %squeeze3A_31 : f32 to vector<16xf32>
      %sub3A_127 = arith.subf %gather3A_121, %sub3A_126 : vector<16xf32>
      %mul3A_128 = arith.mulf %sub3A_123, %sub3A_123 : vector<16xf32>
      %mul3A_129 = arith.mulf %sub3A_125, %sub3A_125 : vector<16xf32>
      %add3A_130 = arith.addf %mul3A_128, %mul3A_129 : vector<16xf32>
      %mul3A_131 = arith.mulf %sub3A_127, %sub3A_127 : vector<16xf32>
      %add3A_132 = arith.addf %add3A_130, %mul3A_131 : vector<16xf32>
      %mul3A_133 = arith.constant 4 : i32
      %mul3A_134 = vector.broadcast %mul3A_133 : i32 to vector<16xi32>
      %mul3A_135 = arith.muli %add3A_116, %mul3A_134 : vector<16xi32>
      %add3A_136 = vector.broadcast %mul3A_54 : i32 to vector<16xi32>
      %add3A_137 = arith.addi %mul3A_135, %add3A_136 : vector<16xi32>
      tpu.vector_store_idx %arg25[%add3A_137], %sub3A_123 : memref<32784xf32, #tpu.memory_space<vmem>>[vector<16xi32>], vector<16xf32>,
      %add3A_138 = arith.constant 1 : i32
      %add3A_139 = vector.broadcast %add3A_138 : i32 to vector<16xi32>
      %add3A_140 = arith.addi %add3A_137, %add3A_139 : vector<16xi32>
      tpu.vector_store_idx %arg25[%add3A_140], %sub3A_125 : memref<32784xf32, #tpu.memory_space<vmem>>[vector<16xi32>], vector<16xf32>,
      %add3A_141 = arith.constant 2 : i32
      %add3A_142 = vector.broadcast %add3A_141 : i32 to vector<16xi32>
      %add3A_143 = arith.addi %add3A_137, %add3A_142 : vector<16xi32>
      tpu.vector_store_idx %arg25[%add3A_143], %sub3A_127 : memref<32784xf32, #tpu.memory_space<vmem>>[vector<16xi32>], vector<16xf32>,
      %add3A_144 = arith.constant 3 : i32
      %add3A_145 = vector.broadcast %add3A_144 : i32 to vector<16xi32>
      %add3A_146 = arith.addi %add3A_137, %add3A_145 : vector<16xi32>
      tpu.vector_store_idx %arg25[%add3A_146], %add3A_132 : memref<32784xf32, #tpu.memory_space<vmem>>[vector<16xi32>], vector<16xf32>,
      %add3A_147 = arith.constant 16 : i32
      %add3A_148 = arith.addi %mul3A_50, %add3A_147 : i32
      %get3A_149 = arith.index_cast %add3A_148 : i32 to index
      %get3A_150 = tpu.vector_load %arg27[%get3A_149] {strides = array<i32>} : memref<8208xi32, #tpu.memory_space<vmem>>, vector<16xi32>,
      %add3A_151 = arith.constant 16 : i32
      %add3A_152 = vector.broadcast %add3A_151 : i32 to vector<16xi32>
      %add3A_153 = arith.addi %iota3A, %add3A_152 : vector<16xi32>
      %lt3A_154 = arith.cmpi slt, %add3A_153, %sub3A_70 : vector<16xi32>
      %select_n3A_155 = arith.select %lt3A_154, %get3A_150, %select_n3A_113 : vector<16xi1>, vector<16xi32>
      %gather3A_156 = tpu.vector_load_idx %arg10[%select_n3A_155] : memref<4096xf32, #tpu.memory_space<vmem>>[vector<16xi32>], vector<16xf32>,
      %gather3A_157 = tpu.vector_load_idx %arg11[%select_n3A_155] : memref<4096xf32, #tpu.memory_space<vmem>>[vector<16xi32>], vector<16xf32>,
      %gather3A_158 = tpu.vector_load_idx %arg12[%select_n3A_155] : memref<4096xf32, #tpu.memory_space<vmem>>[vector<16xi32>], vector<16xf32>,
      %sub3A_159 = vector.broadcast %squeeze3A : f32 to vector<16xf32>
      %sub3A_160 = arith.subf %gather3A_156, %sub3A_159 : vector<16xf32>
      %sub3A_161 = vector.broadcast %squeeze3A_27 : f32 to vector<16xf32>
      %sub3A_162 = arith.subf %gather3A_157, %sub3A_161 : vector<16xf32>
      %sub3A_163 = vector.broadcast %squeeze3A_31 : f32 to vector<16xf32>
      %sub3A_164 = arith.subf %gather3A_158, %sub3A_163 : vector<16xf32>
      %mul3A_165 = arith.mulf %sub3A_160, %sub3A_160 : vector<16xf32>
      %mul3A_166 = arith.mulf %sub3A_162, %sub3A_162 : vector<16xf32>
      %add3A_167 = arith.addf %mul3A_165, %mul3A_166 : vector<16xf32>
      %mul3A_168 = arith.mulf %sub3A_164, %sub3A_164 : vector<16xf32>
      %add3A_169 = arith.addf %add3A_167, %mul3A_168 : vector<16xf32>
      %mul3A_170 = arith.constant 4 : i32
      %mul3A_171 = vector.broadcast %mul3A_170 : i32 to vector<16xi32>
      %mul3A_172 = arith.muli %add3A_153, %mul3A_171 : vector<16xi32>
      %add3A_173 = vector.broadcast %mul3A_54 : i32 to vector<16xi32>
      %add3A_174 = arith.addi %mul3A_172, %add3A_173 : vector<16xi32>
      tpu.vector_store_idx %arg25[%add3A_174], %sub3A_160 : memref<32784xf32, #tpu.memory_space<vmem>>[vector<16xi32>], vector<16xf32>,
      %add3A_175 = arith.constant 1 : i32
      %add3A_176 = vector.broadcast %add3A_175 : i32 to vector<16xi32>
      %add3A_177 = arith.addi %add3A_174, %add3A_176 : vector<16xi32>
      tpu.vector_store_idx %arg25[%add3A_177], %sub3A_162 : memref<32784xf32, #tpu.memory_space<vmem>>[vector<16xi32>], vector<16xf32>,
      %add3A_178 = arith.constant 2 : i32
      %add3A_179 = vector.broadcast %add3A_178 : i32 to vector<16xi32>
      %add3A_180 = arith.addi %add3A_174, %add3A_179 : vector<16xi32>
      tpu.vector_store_idx %arg25[%add3A_180], %sub3A_164 : memref<32784xf32, #tpu.memory_space<vmem>>[vector<16xi32>], vector<16xf32>,
      %add3A_181 = arith.constant 3 : i32
      %add3A_182 = vector.broadcast %add3A_181 : i32 to vector<16xi32>
      %add3A_183 = arith.addi %add3A_174, %add3A_182 : vector<16xi32>
      tpu.vector_store_idx %arg25[%add3A_183], %add3A_169 : memref<32784xf32, #tpu.memory_space<vmem>>[vector<16xi32>], vector<16xf32>,
      %scan3A_184 = arith.constant 0 : i32
      scf.yield %scan3A_184 : i32
    }
    %scan3A_20 = arith.constant 256 : i32
    "tpu.region"() ({
      %run_scoped3A = tpu.sem_alloc : memref<!tpu.dma_semaphore, #tpu.memory_space<semaphore_mem>>
      %dma_start3A = arith.constant 0 : i32
      %dma_start3A_21 = tpu.memref_slice %arg24[%dma_start3A] : memref<16400xf32, #tpu.memory_space<vmem>> -> memref<16384xf32, #tpu.memory_space<vmem>>
      %dma_start3A_22 = arith.constant 0 : i32
      %dma_start3A_23 = tpu.memref_slice %arg8[%arg0, %arg1, %dma_start3A_22] : memref<2x16x16384xf32, #tpu.memory_space<hbm>> -> memref<1x1x16384xf32, #tpu.memory_space<hbm>>
      %dma_start3A_24 = tpu.memref_squeeze %dma_start3A_23 : memref<1x1x16384xf32, #tpu.memory_space<hbm>> -> memref<16384xf32, #tpu.memory_space<hbm>>
      %dma_start3A_25 = arith.constant 0 : i32
      %dma_start3A_26 = tpu.memref_slice %arg8[%arg0, %arg1, %dma_start3A_25] : memref<2x16x16384xf32, #tpu.memory_space<hbm>> -> memref<1x1x16384xf32, #tpu.memory_space<hbm>>
      %dma_start3A_27 = tpu.memref_squeeze %dma_start3A_26 : memref<1x1x16384xf32, #tpu.memory_space<hbm>> -> memref<16384xf32, #tpu.memory_space<hbm>>
      %dma_start3A_28 = arith.constant 0 : i32
      %dma_start3A_29 = tpu.memref_slice %arg24[%dma_start3A_28] : memref<16400xf32, #tpu.memory_space<vmem>> -> memref<16384xf32, #tpu.memory_space<vmem>>
      tpu.enqueue_dma source(%dma_start3A_29 : memref<16384xf32, #tpu.memory_space<vmem>>) target(%dma_start3A_27 : memref<16384xf32, #tpu.memory_space<hbm>>) target_semaphore(%run_scoped3A : memref<!tpu.dma_semaphore, #tpu.memory_space<semaphore_mem>>)
      %dma_wait3A = arith.constant 0 : i32
      %dma_wait3A_30 = tpu.memref_slice %arg24[%dma_wait3A] : memref<16400xf32, #tpu.memory_space<vmem>> -> memref<16384xf32, #tpu.memory_space<vmem>>
      %dma_wait3A_31 = arith.constant 0 : i32
      %dma_wait3A_32 = tpu.memref_slice %arg8[%arg0, %arg1, %dma_wait3A_31] : memref<2x16x16384xf32, #tpu.memory_space<hbm>> -> memref<1x1x16384xf32, #tpu.memory_space<hbm>>
      %dma_wait3A_33 = tpu.memref_squeeze %dma_wait3A_32 : memref<1x1x16384xf32, #tpu.memory_space<hbm>> -> memref<16384xf32, #tpu.memory_space<hbm>>
      %dma_wait3A_34 = arith.constant 0 : i32
      %dma_wait3A_35 = tpu.memref_slice %arg8[%arg0, %arg1, %dma_wait3A_34] : memref<2x16x16384xf32, #tpu.memory_space<hbm>> -> memref<1x1x16384xf32, #tpu.memory_space<hbm>>
      %dma_wait3A_36 = tpu.memref_squeeze %dma_wait3A_35 : memref<1x1x16384xf32, #tpu.memory_space<hbm>> -> memref<16384xf32, #tpu.memory_space<hbm>>
      %dma_wait3A_37 = arith.constant 0 : i32
      %dma_wait3A_38 = tpu.memref_slice %arg24[%dma_wait3A_37] : memref<16400xf32, #tpu.memory_space<vmem>> -> memref<16384xf32, #tpu.memory_space<vmem>>
      tpu.wait_dma2 semaphore(%run_scoped3A : memref<!tpu.dma_semaphore, #tpu.memory_space<semaphore_mem>>) src(%dma_wait3A_38 : memref<16384xf32, #tpu.memory_space<vmem>>) dst(%dma_wait3A_36 : memref<16384xf32, #tpu.memory_space<hbm>>)
      tpu.yield
    }) : () -> ()
    "tpu.region"() ({
      %run_scoped3A = tpu.sem_alloc : memref<!tpu.dma_semaphore, #tpu.memory_space<semaphore_mem>>
      %dma_start3A = arith.constant 0 : i32
      %dma_start3A_21 = tpu.memref_slice %arg25[%dma_start3A] : memref<32784xf32, #tpu.memory_space<vmem>> -> memref<32768xf32, #tpu.memory_space<vmem>>
      %dma_start3A_22 = arith.constant 0 : i32
      %dma_start3A_23 = tpu.memref_slice %arg9[%arg0, %arg1, %dma_start3A_22] : memref<2x16x32768xf32, #tpu.memory_space<hbm>> -> memref<1x1x32768xf32, #tpu.memory_space<hbm>>
      %dma_start3A_24 = tpu.memref_squeeze %dma_start3A_23 : memref<1x1x32768xf32, #tpu.memory_space<hbm>> -> memref<32768xf32, #tpu.memory_space<hbm>>
      %dma_start3A_25 = arith.constant 0 : i32
      %dma_start3A_26 = tpu.memref_slice %arg9[%arg0, %arg1, %dma_start3A_25] : memref<2x16x32768xf32, #tpu.memory_space<hbm>> -> memref<1x1x32768xf32, #tpu.memory_space<hbm>>
      %dma_start3A_27 = tpu.memref_squeeze %dma_start3A_26 : memref<1x1x32768xf32, #tpu.memory_space<hbm>> -> memref<32768xf32, #tpu.memory_space<hbm>>
      %dma_start3A_28 = arith.constant 0 : i32
      %dma_start3A_29 = tpu.memref_slice %arg25[%dma_start3A_28] : memref<32784xf32, #tpu.memory_space<vmem>> -> memref<32768xf32, #tpu.memory_space<vmem>>
      tpu.enqueue_dma source(%dma_start3A_29 : memref<32768xf32, #tpu.memory_space<vmem>>) target(%dma_start3A_27 : memref<32768xf32, #tpu.memory_space<hbm>>) target_semaphore(%run_scoped3A : memref<!tpu.dma_semaphore, #tpu.memory_space<semaphore_mem>>)
      %dma_wait3A = arith.constant 0 : i32
      %dma_wait3A_30 = tpu.memref_slice %arg25[%dma_wait3A] : memref<32784xf32, #tpu.memory_space<vmem>> -> memref<32768xf32, #tpu.memory_space<vmem>>
      %dma_wait3A_31 = arith.constant 0 : i32
      %dma_wait3A_32 = tpu.memref_slice %arg9[%arg0, %arg1, %dma_wait3A_31] : memref<2x16x32768xf32, #tpu.memory_space<hbm>> -> memref<1x1x32768xf32, #tpu.memory_space<hbm>>
      %dma_wait3A_33 = tpu.memref_squeeze %dma_wait3A_32 : memref<1x1x32768xf32, #tpu.memory_space<hbm>> -> memref<32768xf32, #tpu.memory_space<hbm>>
      %dma_wait3A_34 = arith.constant 0 : i32
      %dma_wait3A_35 = tpu.memref_slice %arg9[%arg0, %arg1, %dma_wait3A_34] : memref<2x16x32768xf32, #tpu.memory_space<hbm>> -> memref<1x1x32768xf32, #tpu.memory_space<hbm>>
      %dma_wait3A_36 = tpu.memref_squeeze %dma_wait3A_35 : memref<1x1x32768xf32, #tpu.memory_space<hbm>> -> memref<32768xf32, #tpu.memory_space<hbm>>
      %dma_wait3A_37 = arith.constant 0 : i32
      %dma_wait3A_38 = tpu.memref_slice %arg25[%dma_wait3A_37] : memref<32784xf32, #tpu.memory_space<vmem>> -> memref<32768xf32, #tpu.memory_space<vmem>>
      tpu.wait_dma2 semaphore(%run_scoped3A : memref<!tpu.dma_semaphore, #tpu.memory_space<semaphore_mem>>) src(%dma_wait3A_38 : memref<32768xf32, #tpu.memory_space<vmem>>) dst(%dma_wait3A_36 : memref<32768xf32, #tpu.memory_space<hbm>>)
      tpu.yield
    }) : () -> ()
    return
  }
}

module attributes {stable_mosaic.version = 14 : i64} {
  func.func @_mlp_body(%arg0: i32, %arg1: i32, %arg2: memref<1x4096x4xf32, #tpu.memory_space<vmem>>, %arg3: memref<1x8192x4xf32, #tpu.memory_space<vmem>>, %arg4: memref<4x64xf32, #tpu.memory_space<vmem>>, %arg5: memref<1x64xf32, #tpu.memory_space<vmem>>, %arg6: memref<64x128xf32, #tpu.memory_space<vmem>>, %arg7: memref<1x128xf32, #tpu.memory_space<vmem>>, %arg8: memref<4x64xf32, #tpu.memory_space<vmem>>, %arg9: memref<1x64xf32, #tpu.memory_space<vmem>>, %arg10: memref<64x128xf32, #tpu.memory_space<vmem>>, %arg11: memref<1x128xf32, #tpu.memory_space<vmem>>, %arg12: memref<256x256xf32, #tpu.memory_space<vmem>>, %arg13: memref<1x256xf32, #tpu.memory_space<vmem>>, %arg14: memref<1x256x256xf32, #tpu.memory_space<vmem>>) attributes {dimension_semantics = [#tpu.dimension_semantics<arbitrary>, #tpu.dimension_semantics<arbitrary>], iteration_bounds = array<i64: 2, 16>, scalar_prefetch = 0 : i64, scratch_operands = 0 : i64, tpu.core_type = #tpu.core_type<tc>, window_params = [{transform_indices = @transform_0, window_bounds = array<i64: 1, 4096, 4>}, {transform_indices = @transform_1, window_bounds = array<i64: 1, 8192, 4>}, {pipeline_mode = #tpu.pipeline_mode<synchronous>, transform_indices = @transform_2, window_bounds = array<i64: 4, 64>}, {pipeline_mode = #tpu.pipeline_mode<synchronous>, transform_indices = @transform_3, window_bounds = array<i64: 1, 64>}, {pipeline_mode = #tpu.pipeline_mode<synchronous>, transform_indices = @transform_4, window_bounds = array<i64: 64, 128>}, {pipeline_mode = #tpu.pipeline_mode<synchronous>, transform_indices = @transform_5, window_bounds = array<i64: 1, 128>}, {pipeline_mode = #tpu.pipeline_mode<synchronous>, transform_indices = @transform_6, window_bounds = array<i64: 4, 64>}, {pipeline_mode = #tpu.pipeline_mode<synchronous>, transform_indices = @transform_7, window_bounds = array<i64: 1, 64>}, {pipeline_mode = #tpu.pipeline_mode<synchronous>, transform_indices = @transform_8, window_bounds = array<i64: 64, 128>}, {pipeline_mode = #tpu.pipeline_mode<synchronous>, transform_indices = @transform_9, window_bounds = array<i64: 1, 128>}, {pipeline_mode = #tpu.pipeline_mode<synchronous>, transform_indices = @transform_10, window_bounds = array<i64: 256, 256>}, {pipeline_mode = #tpu.pipeline_mode<synchronous>, transform_indices = @transform_11, window_bounds = array<i64: 1, 256>}, {transform_indices = @transform_12, window_bounds = array<i64: 1, 256, 256>}]} {
    %get3A = arith.constant 0 : index
    %get3A_0 = arith.constant 0 : index
    %get3A_1 = arith.constant 0 : index
    %get3A_2 = vector.load %arg2[%get3A, %get3A_0, %get3A_1] : memref<1x4096x4xf32, #tpu.memory_space<vmem>>, vector<1x4096x4xf32>
    %get3A_3 = vector.shape_cast %get3A_2 : vector<1x4096x4xf32> to vector<4096x4xf32>
    %slice3A = vector.extract_strided_slice %get3A_3 {offsets = [0, 3], sizes = [4096, 1], strides = [1, 1]} : vector<4096x4xf32> to vector<4096x1xf32>
    %add3A = arith.constant 9.99999996E-13 : f32
    %add3A_4 = vector.broadcast %add3A : f32 to vector<4096x1xf32>
    %add3A_5 = arith.addf %slice3A, %add3A_4 : vector<4096x1xf32>
    %sqrt3A = math.sqrt %add3A_5 : vector<4096x1xf32>
    %slice3A_6 = vector.extract_strided_slice %get3A_3 {offsets = [0, 0], sizes = [4096, 3], strides = [1, 1]} : vector<4096x4xf32> to vector<4096x3xf32>
    %concatenate3A = tpu.concatenate %slice3A_6, %sqrt3A in 1 : vector<4096x3xf32>, vector<4096x1xf32> -> vector<4096x4xf32>
    %get3A_7 = arith.constant 0 : index
    %get3A_8 = arith.constant 0 : index
    %get3A_9 = vector.load %arg4[%get3A_7, %get3A_8] : memref<4x64xf32, #tpu.memory_space<vmem>>, vector<4x64xf32>
    %dot_general3A = arith.constant dense<0.000000e+00> : vector<4096x64xf32>
    %dot_general3A_10 = tpu.matmul %concatenate3A, %get3A_9, %dot_general3A {dimension_numbers = #tpu.dot_dimension_numbers<[1], [0], [0], [1], [0, 0, 1, 1], [], []>, transpose_lhs_hint = false} : vector<4096x4xf32>, vector<4x64xf32>, vector<4096x64xf32> -> vector<4096x64xf32>
    %get3A_11 = arith.constant 0 : index
    %get3A_12 = arith.constant 0 : index
    %get3A_13 = vector.load %arg5[%get3A_11, %get3A_12] : memref<1x64xf32, #tpu.memory_space<vmem>>, vector<1x64xf32>
    %add3A_14 = vector.broadcast %get3A_13 : vector<1x64xf32> to vector<4096x64xf32>
    %add3A_15 = arith.addf %dot_general3A_10, %add3A_14 : vector<4096x64xf32>
    %max3A = arith.constant 0.000000e+00 : f32
    %max3A_16 = vector.broadcast %max3A : f32 to vector<4096x64xf32>
    %max3A_17 = arith.maximumf %add3A_15, %max3A_16 : vector<4096x64xf32>
    %get3A_18 = arith.constant 0 : index
    %get3A_19 = arith.constant 0 : index
    %get3A_20 = vector.load %arg6[%get3A_18, %get3A_19] : memref<64x128xf32, #tpu.memory_space<vmem>>, vector<64x128xf32>
    %dot_general3A_21 = arith.constant dense<0.000000e+00> : vector<4096x128xf32>
    %dot_general3A_22 = tpu.matmul %max3A_17, %get3A_20, %dot_general3A_21 {dimension_numbers = #tpu.dot_dimension_numbers<[1], [0], [0], [1], [0, 0, 1, 1], [], []>, transpose_lhs_hint = false} : vector<4096x64xf32>, vector<64x128xf32>, vector<4096x128xf32> -> vector<4096x128xf32>
    %get3A_23 = arith.constant 0 : index
    %get3A_24 = arith.constant 0 : index
    %get3A_25 = vector.load %arg7[%get3A_23, %get3A_24] : memref<1x128xf32, #tpu.memory_space<vmem>>, vector<1x128xf32>
    %add3A_26 = vector.broadcast %get3A_25 : vector<1x128xf32> to vector<4096x128xf32>
    %add3A_27 = arith.addf %dot_general3A_22, %add3A_26 : vector<4096x128xf32>
    %max3A_28 = arith.constant 0.000000e+00 : f32
    %max3A_29 = vector.broadcast %max3A_28 : f32 to vector<4096x128xf32>
    %max3A_30 = arith.maximumf %add3A_27, %max3A_29 : vector<4096x128xf32>
    %reshape3A = vector.shape_cast %max3A_30 : vector<4096x128xf32> to vector<256x16x128xf32>
    %reduce_max3A = arith.constant dense<0xFF800000> : vector<256x128xf32>
    %reduce_max3A_31 = vector.multi_reduction <maximumf>, %reshape3A, %reduce_max3A [1] : vector<256x16x128xf32> to vector<256x128xf32>
    %get3A_32 = arith.constant 0 : index
    %get3A_33 = arith.constant 0 : index
    %get3A_34 = arith.constant 0 : index
    %get3A_35 = vector.load %arg3[%get3A_32, %get3A_33, %get3A_34] : memref<1x8192x4xf32, #tpu.memory_space<vmem>>, vector<1x8192x4xf32>
    %get3A_36 = vector.shape_cast %get3A_35 : vector<1x8192x4xf32> to vector<8192x4xf32>
    %slice3A_37 = vector.extract_strided_slice %get3A_36 {offsets = [0, 3], sizes = [8192, 1], strides = [1, 1]} : vector<8192x4xf32> to vector<8192x1xf32>
    %add3A_38 = arith.constant 9.99999996E-13 : f32
    %add3A_39 = vector.broadcast %add3A_38 : f32 to vector<8192x1xf32>
    %add3A_40 = arith.addf %slice3A_37, %add3A_39 : vector<8192x1xf32>
    %sqrt3A_41 = math.sqrt %add3A_40 : vector<8192x1xf32>
    %slice3A_42 = vector.extract_strided_slice %get3A_36 {offsets = [0, 0], sizes = [8192, 3], strides = [1, 1]} : vector<8192x4xf32> to vector<8192x3xf32>
    %concatenate3A_43 = tpu.concatenate %slice3A_42, %sqrt3A_41 in 1 : vector<8192x3xf32>, vector<8192x1xf32> -> vector<8192x4xf32>
    %get3A_44 = arith.constant 0 : index
    %get3A_45 = arith.constant 0 : index
    %get3A_46 = vector.load %arg8[%get3A_44, %get3A_45] : memref<4x64xf32, #tpu.memory_space<vmem>>, vector<4x64xf32>
    %dot_general3A_47 = arith.constant dense<0.000000e+00> : vector<8192x64xf32>
    %dot_general3A_48 = tpu.matmul %concatenate3A_43, %get3A_46, %dot_general3A_47 {dimension_numbers = #tpu.dot_dimension_numbers<[1], [0], [0], [1], [0, 0, 1, 1], [], []>, transpose_lhs_hint = false} : vector<8192x4xf32>, vector<4x64xf32>, vector<8192x64xf32> -> vector<8192x64xf32>
    %get3A_49 = arith.constant 0 : index
    %get3A_50 = arith.constant 0 : index
    %get3A_51 = vector.load %arg9[%get3A_49, %get3A_50] : memref<1x64xf32, #tpu.memory_space<vmem>>, vector<1x64xf32>
    %add3A_52 = vector.broadcast %get3A_51 : vector<1x64xf32> to vector<8192x64xf32>
    %add3A_53 = arith.addf %dot_general3A_48, %add3A_52 : vector<8192x64xf32>
    %max3A_54 = arith.constant 0.000000e+00 : f32
    %max3A_55 = vector.broadcast %max3A_54 : f32 to vector<8192x64xf32>
    %max3A_56 = arith.maximumf %add3A_53, %max3A_55 : vector<8192x64xf32>
    %get3A_57 = arith.constant 0 : index
    %get3A_58 = arith.constant 0 : index
    %get3A_59 = vector.load %arg10[%get3A_57, %get3A_58] : memref<64x128xf32, #tpu.memory_space<vmem>>, vector<64x128xf32>
    %dot_general3A_60 = arith.constant dense<0.000000e+00> : vector<8192x128xf32>
    %dot_general3A_61 = tpu.matmul %max3A_56, %get3A_59, %dot_general3A_60 {dimension_numbers = #tpu.dot_dimension_numbers<[1], [0], [0], [1], [0, 0, 1, 1], [], []>, transpose_lhs_hint = false} : vector<8192x64xf32>, vector<64x128xf32>, vector<8192x128xf32> -> vector<8192x128xf32>
    %get3A_62 = arith.constant 0 : index
    %get3A_63 = arith.constant 0 : index
    %get3A_64 = vector.load %arg11[%get3A_62, %get3A_63] : memref<1x128xf32, #tpu.memory_space<vmem>>, vector<1x128xf32>
    %add3A_65 = vector.broadcast %get3A_64 : vector<1x128xf32> to vector<8192x128xf32>
    %add3A_66 = arith.addf %dot_general3A_61, %add3A_65 : vector<8192x128xf32>
    %max3A_67 = arith.constant 0.000000e+00 : f32
    %max3A_68 = vector.broadcast %max3A_67 : f32 to vector<8192x128xf32>
    %max3A_69 = arith.maximumf %add3A_66, %max3A_68 : vector<8192x128xf32>
    %reshape3A_70 = vector.shape_cast %max3A_69 : vector<8192x128xf32> to vector<256x32x128xf32>
    %reduce_max3A_71 = arith.constant dense<0xFF800000> : vector<256x128xf32>
    %reduce_max3A_72 = vector.multi_reduction <maximumf>, %reshape3A_70, %reduce_max3A_71 [1] : vector<256x32x128xf32> to vector<256x128xf32>
    %concatenate3A_73 = tpu.concatenate %reduce_max3A_31, %reduce_max3A_72 in 1 : vector<256x128xf32>, vector<256x128xf32> -> vector<256x256xf32>
    %get3A_74 = arith.constant 0 : index
    %get3A_75 = arith.constant 0 : index
    %get3A_76 = vector.load %arg12[%get3A_74, %get3A_75] : memref<256x256xf32, #tpu.memory_space<vmem>>, vector<256x256xf32>
    %dot_general3A_77 = arith.constant dense<0.000000e+00> : vector<256x256xf32>
    %dot_general3A_78 = tpu.matmul %concatenate3A_73, %get3A_76, %dot_general3A_77 {dimension_numbers = #tpu.dot_dimension_numbers<[1], [0], [0], [1], [0, 0, 1, 1], [], []>, transpose_lhs_hint = false} : vector<256x256xf32>, vector<256x256xf32>, vector<256x256xf32> -> vector<256x256xf32>
    %get3A_79 = arith.constant 0 : index
    %get3A_80 = arith.constant 0 : index
    %get3A_81 = vector.load %arg13[%get3A_79, %get3A_80] : memref<1x256xf32, #tpu.memory_space<vmem>>, vector<1x256xf32>
    %add3A_82 = vector.broadcast %get3A_81 : vector<1x256xf32> to vector<256x256xf32>
    %add3A_83 = arith.addf %dot_general3A_78, %add3A_82 : vector<256x256xf32>
    %swap3A = arith.constant 0 : index
    %swap3A_84 = arith.constant 0 : index
    %swap3A_85 = arith.constant 0 : index
    %swap3A_86 = vector.load %arg14[%swap3A, %swap3A_84, %swap3A_85] : memref<1x256x256xf32, #tpu.memory_space<vmem>>, vector<1x256x256xf32>
    %swap3A_87 = vector.shape_cast %swap3A_86 : vector<1x256x256xf32> to vector<256x256xf32>
    %swap3A_88 = vector.shape_cast %add3A_83 : vector<256x256xf32> to vector<1x256x256xf32>
    tpu.vector_store %arg14[%swap3A, %swap3A_84, %swap3A_85], %swap3A_88 {strides = array<i32>} : memref<1x256x256xf32, #tpu.memory_space<vmem>>, vector<1x256x256xf32>,
    return
  }
  func.func @transform_0(%arg0: i32, %arg1: i32) -> (i32, i32, i32) {
    %c0_i32 = arith.constant 0 : i32
    %c0_i32_0 = arith.constant 0 : i32
    return %arg0, %arg1, %c0_i32 : i32, i32, i32
  }
  func.func @transform_1(%arg0: i32, %arg1: i32) -> (i32, i32, i32) {
    %c0_i32 = arith.constant 0 : i32
    %c0_i32_0 = arith.constant 0 : i32
    return %arg0, %arg1, %c0_i32 : i32, i32, i32
  }
  func.func @transform_2(%arg0: i32, %arg1: i32) -> (i32, i32) {
    %c0_i32 = arith.constant 0 : i32
    %c0_i32_0 = arith.constant 0 : i32
    %c0_i32_1 = arith.constant 0 : i32
    return %c0_i32, %c0_i32_0 : i32, i32
  }
  func.func @transform_3(%arg0: i32, %arg1: i32) -> (i32, i32) {
    %c0_i32 = arith.constant 0 : i32
    %c0_i32_0 = arith.constant 0 : i32
    %c0_i32_1 = arith.constant 0 : i32
    return %c0_i32, %c0_i32_0 : i32, i32
  }
  func.func @transform_4(%arg0: i32, %arg1: i32) -> (i32, i32) {
    %c0_i32 = arith.constant 0 : i32
    %c0_i32_0 = arith.constant 0 : i32
    %c0_i32_1 = arith.constant 0 : i32
    return %c0_i32, %c0_i32_0 : i32, i32
  }
  func.func @transform_5(%arg0: i32, %arg1: i32) -> (i32, i32) {
    %c0_i32 = arith.constant 0 : i32
    %c0_i32_0 = arith.constant 0 : i32
    %c0_i32_1 = arith.constant 0 : i32
    return %c0_i32, %c0_i32_0 : i32, i32
  }
  func.func @transform_6(%arg0: i32, %arg1: i32) -> (i32, i32) {
    %c0_i32 = arith.constant 0 : i32
    %c0_i32_0 = arith.constant 0 : i32
    %c0_i32_1 = arith.constant 0 : i32
    return %c0_i32, %c0_i32_0 : i32, i32
  }
  func.func @transform_7(%arg0: i32, %arg1: i32) -> (i32, i32) {
    %c0_i32 = arith.constant 0 : i32
    %c0_i32_0 = arith.constant 0 : i32
    %c0_i32_1 = arith.constant 0 : i32
    return %c0_i32, %c0_i32_0 : i32, i32
  }
  func.func @transform_8(%arg0: i32, %arg1: i32) -> (i32, i32) {
    %c0_i32 = arith.constant 0 : i32
    %c0_i32_0 = arith.constant 0 : i32
    %c0_i32_1 = arith.constant 0 : i32
    return %c0_i32, %c0_i32_0 : i32, i32
  }
  func.func @transform_9(%arg0: i32, %arg1: i32) -> (i32, i32) {
    %c0_i32 = arith.constant 0 : i32
    %c0_i32_0 = arith.constant 0 : i32
    %c0_i32_1 = arith.constant 0 : i32
    return %c0_i32, %c0_i32_0 : i32, i32
  }
  func.func @transform_10(%arg0: i32, %arg1: i32) -> (i32, i32) {
    %c0_i32 = arith.constant 0 : i32
    %c0_i32_0 = arith.constant 0 : i32
    %c0_i32_1 = arith.constant 0 : i32
    return %c0_i32, %c0_i32_0 : i32, i32
  }
  func.func @transform_11(%arg0: i32, %arg1: i32) -> (i32, i32) {
    %c0_i32 = arith.constant 0 : i32
    %c0_i32_0 = arith.constant 0 : i32
    %c0_i32_1 = arith.constant 0 : i32
    return %c0_i32, %c0_i32_0 : i32, i32
  }
  func.func @transform_12(%arg0: i32, %arg1: i32) -> (i32, i32, i32) {
    %c0_i32 = arith.constant 0 : i32
    %c0_i32_0 = arith.constant 0 : i32
    return %arg0, %arg1, %c0_i32 : i32, i32, i32
  }
}

</mosaic_0001>

<sc_bundles>
// kernel: kernel.4.cloned.1.call-start
scs
__scs_entry_jumppad:
0x0: {  	(pc) =	sbr.rel $0x88, $3  }
0x1: {  	(tag) =	ssettag $0x0;
	lr =	simm.s32 $0x1  }
0x2: {  	[smem:$0x3F95] =	sst lr;
	_ =	strace $0xD0000000  }
0x3: {  	_ = 	snop  }
0x4: {  	_ = 	snop  }
0x5: {  	_ = 	snop  }
0x6: {  	_ = 	snop  }
0x7: {  	_ = 	snop  }
__scs_overlays_trampoline_lowered:
0x8: {  	[smem:$0x3FA4] =	sst s0  }
0x9: {  	[smem:$0x3FA5] =	sst s1  }
0xa: {  	[smem:$0x3FA6] =	sst s2  }
0xb: {  	[smem:$0x3FA7] =	sst s3  }
0xc: {  	[smem:$0x3FA8] =	sst s4  }
0xd: {  	[smem:$0x3FA9] =	sst s5  }
0xe: {  	[smem:$0x3FAA] =	sst s6  }
0xf: {  	[smem:$0x3FAB] =	sst s7  }
0x10: {  	[smem:$0x3FAC] =	sst s8  }
0x11: {  	[smem:$0x3FAD] =	sst s9;
	s0 =	simm.s32 @!p0 $0x0  }
0x12: {  	s1 =	sld [smem:$0x3F93];
	s0 =	simm.s32 @p0 $0x1  }
0x13: {  	[smem:$0x3FAE] =	sst s0;
	s0 =	simm.s32 @!p1 $0x0  }
0x14: {  	s2 =	sld [smem:$0x3F92];
	s0 =	simm.s32 @p1 $0x1  }
0x15: {  	[smem:$0x3FAF] =	sst s0;
	s0 =	simm.s32 @!p2 $0x0  }
0x16: {  	s3 =	sld [smem:$0x3FDB];
	s0 =	simm.s32 @p2 $0x1  }
0x17: {  	s4 =	simm.s32 $0x1BF5;
	[smem:$0x3FB1] =	sst s0  }
0x18: {  	s0 =	sld [smem:$0x3F94];
	_ =	swait.ge [sflag:s4], $0x0  }
0x19: {  	s7 =	sld [smem:$0x3F95]  }
0x1a: {  	s8 =	sadd.s32 $0xFFFFE003, lr  }
0x1b: {  	s9 =	sadd.s32 $0xFFFFFEF7, lr;
	s5 =	simm.s32 $0xFFFFFFFF;
	p2 =	slt.u32 s8, $0xFFFFF086  }
0x1c: {  	p1 =	slt.u32 s9, $0xF7A;
	s5 =	simm.s32 @!p2 $0x0  }
0x1d: {  	s5 =	simm.s32 @p1 $0x1;
	p0 =	seq.s32 s7, s2  }
0x1e: {  	s7 =	smul.u32 @!p0 $0xF7A, s2;
	p2 =	seq.s32 @!p0 s5, $0x0  }
0x1f: {  	s9 =	smul.u32 $0xF7A, s1;
	s8 =	simm.s32 @!p0 $0x1BF5;
	p2 =	por !p2, p0  }
0x20: {  	[sflag:s8] =	ssyncset.s32 @!p0 $0xFFFFF086;
	s6 =	sadd.s32 @!p0 s3, s7;
	s7 =	simm.s32 @!p0 $0x108  }
0x21: {  	s3 =	sadd.s32 s3, s9;
	s6 =	sadd.s32 @!p0 $0x88, s6;
	s7 =	simm.s32 @p2 $0x1082  }
0x22: {  	[simem:s7], [sflag:s8] =	dma.local @!p0 [hbm:s6], $0xF7A  }
0x23: {  	s9 =	sor.u32 $0xD0000000, s2;
	s6 =	simm.s32 $0x108;
	_ =	swait.ge @!p0 [sflag:s8], $0x0  }
0x24: {  	s3 =	sadd.s32 $0x88, s3;
	s6 =	simm.s32 @!p1 $0x1082;
	[sflag:s4] =	ssyncset.s32 $0xFFFFF086  }
0x25: {  	[simem:s6], [sflag:s4] =	dma.local [hbm:s3], $0xF7A  }
0x26: {  	[smem:$0x3F95] =	sst s1;
	(tag) =	ssettag s2;
	_ =	strace s9  }
0x27: {  	s1 =	sld [smem:$0x3FA5]  }
0x28: {  	s2 =	sld [smem:$0x3FA6]  }
0x29: {  	s4 =	sld [smem:$0x3FA8]  }
0x2a: {  	p0 =	seq.s32 s5, $0x0;
	s5 =	sld [smem:$0x3FA9]  }
0x2b: {  	s6 =	sld [smem:$0x3FAA]  }
0x2c: {  	s7 =	sld [smem:$0x3FAB]  }
0x2d: {  	s3 =	simm.s32 $0x108;
	s8 =	sld [smem:$0x3FAC]  }
0x2e: {  	s3 =	simm.s32 @!p0 $0x1082;
	s9 =	sld [smem:$0x3FAD]  }
0x2f: {  	lr =	sadd.s32 s0, s3;
	s0 =	sld [smem:$0x3FA4]  }
0x30: {  	s3 =	sld [smem:$0x3FA7]  }
0x31: {  	[smem:$0x3FB0] =	sst s10  }
0x32: {  	s10 =	sld [smem:$0x3FAE];
	_ =	sdelay $0x3  }
0x33: {  	p0 =	seq.s32 s10, $0x1;
	s10 =	sld [smem:$0x3FB0];
	_ =	sdelay $0x3  }
0x34: {  	[smem:$0x3FB0] =	sst s10  }
0x35: {  	s10 =	sld [smem:$0x3FAF];
	_ =	sdelay $0x3  }
0x36: {  	p1 =	seq.s32 s10, $0x1;
	s10 =	sld [smem:$0x3FB0];
	_ =	sdelay $0x3  }
0x37: {  	[smem:$0x3FB0] =	sst s10  }
0x38: {  	s10 =	sld [smem:$0x3FB1]  }
0x39: {  	_ = 	snop;
	(pc) =	sbr.ind lr, $3  }
0x3a: {  	_ = 	snop  }
0x3b: {  	_ = 	snop  }
0x3c: {  	p2 =	seq.s32 s10, $0x1;
	s10 =	sld [smem:$0x3FB0]  }
0x3d: {  	_ =	shalt  }
0x3e: {  	_ =	shalt  }
0x3f: {  	_ =	shalt  }
0x40: {  	_ =	shalt  }
0x41: {  	_ =	shalt  }
0x42: {  	_ =	shalt  }
0x43: {  	_ =	shalt  }
0x44: {  	_ =	shalt  }
0x45: {  	_ =	shalt  }
0x46: {  	_ =	shalt  }
0x47: {  	_ =	shalt  }
0x48: {  	_ =	shalt  }
0x49: {  	_ =	shalt  }
0x4a: {  	_ =	shalt  }
0x4b: {  	_ =	shalt  }
0x4c: {  	_ =	shalt  }
0x4d: {  	_ =	shalt  }
0x4e: {  	_ =	shalt  }
0x4f: {  	_ =	shalt  }
0x50: {  	_ =	shalt  }
0x51: {  	_ =	shalt  }
0x52: {  	_ =	shalt  }
0x53: {  	_ =	shalt  }
0x54: {  	_ =	shalt  }
0x55: {  	_ =	shalt  }
0x56: {  	_ =	shalt  }
0x57: {  	_ =	shalt  }
0x58: {  	_ =	shalt  }
0x59: {  	_ =	shalt  }
0x5a: {  	_ =	shalt  }
0x5b: {  	_ =	shalt  }
0x5c: {  	_ =	shalt  }
0x5d: {  	_ =	shalt  }
0x5e: {  	_ =	shalt  }
0x5f: {  	_ =	shalt  }
0x60: {  	_ =	shalt  }
0x61: {  	_ =	shalt  }
0x62: {  	_ =	shalt  }
0x63: {  	_ =	shalt  }
0x64: {  	_ =	shalt  }
0x65: {  	_ =	shalt  }
0x66: {  	_ =	shalt  }
0x67: {  	_ =	shalt  }
0x68: {  	_ =	shalt  }
0x69: {  	_ =	shalt  }
0x6a: {  	_ =	shalt  }
0x6b: {  	_ =	shalt  }
0x6c: {  	_ =	shalt  }
0x6d: {  	_ =	shalt  }
0x6e: {  	_ =	shalt  }
0x6f: {  	_ =	shalt  }
0x70: {  	_ =	shalt  }
0x71: {  	_ =	shalt  }
0x72: {  	_ =	shalt  }
0x73: {  	_ =	shalt  }
0x74: {  	_ =	shalt  }
0x75: {  	_ =	shalt  }
0x76: {  	_ =	shalt  }
0x77: {  	_ =	shalt  }
0x78: {  	_ =	shalt  }
0x79: {  	_ =	shalt  }
0x7a: {  	_ =	shalt  }
0x7b: {  	_ =	shalt  }
0x7c: {  	_ =	shalt  }
0x7d: {  	_ =	shalt  }
0x7e: {  	_ =	shalt  }
0x7f: {  	_ =	shalt  }
0x80: {  	_ =	shalt  }
0x81: {  	_ =	shalt  }
0x82: {  	_ =	shalt  }
0x83: {  	_ =	shalt  }
0x84: {  	_ =	shalt  }
0x85: {  	_ =	shalt  }
0x86: {  	_ =	shalt  }
0x87: {  	_ =	shalt  }
.Lfunc_end0:
.L_simem_size_0:
called_computation_lowered:
.L_overlay_start_0:
0x88: {  	s2 =	sld [smem:$0x3FD9]  }
0x89: {  	s3 =	sld [smem:$0x3FFE];
	_ =	sdelay $0x1  }
0x8a: {  	s1 =	srdreg.scid  }
0x8b: {  	s0 =	sand.u32 $0x1, s1  }
0x8c: {  	s17 =	sshll.u32 s0, $0xA;
	s2 =	sadd.s32 s3, s2  }
0x8d: {  	s2 =	sadd.s32 s2, s17  }
0x8e: {  	[smem:$0x3FBC] =	sst s2  }
0x8f: {  	_ = 	snop  }
0x90: {  	s2 =	sld [smem:$0x3FD0];
	(tm) =	ssettm $0x1  }
0x91: {  	s18 =	sld [smem:$0x3FFB];
	_ =	sdelay $0x3  }
0x92: {  	_ =	strace s18  }
0x93: {  	s3 =	sld [smem:$0x3FFC];
	_ =	sdelay $0x3  }
0x94: {  	_ =	strace s3  }
0x95: {  	s3 =	sld [smem:$0x3FFD];
	_ =	sdelay $0x3  }
0x96: {  	_ =	strace s3  }
0x97: {  	_ =	strace $0x8FFFFFFF  }
0x98: {  	s19 =	sld [smem:$0x3FDB];
	_ =	sdelay $0x1  }
0x99: {  	s4 =	simm.s32 $_scs_section_size  }
0x9a: {  	s5 =	simm.s32 $_size__tile_overlayer_lowered;
	s6 =	simm.s32 $_tile_overlayer_lowered  }
0x9b: {  	s22 =	simm.s32 $0x1BFF;
	s21 =	sshll.u32 s6, $0x1;
	s3 =	sadd.s32 s4, s19  }
0x9c: {  	s7 =	simm.s32 $0x0;
	s20 =	sshll.u32 s5, $0x1;
	s5 =	sadd.s32 s21, s3  }
0x9d: {  	[timem:s7], [sflag:s22] =	dma.local [hbm:s5], s20  }
0x9e: {  	_ =	swait.ge [sflag:s22], s20  }
0x9f: {  	s4 =	ssub.s32 $0x0, s20;
	[sflag:s22] =	ssyncset.done $0x0  }
0xa0: {  	[sflag:s22] =	ssyncadd.s32 s4;
	_ =	sdelay $0x1  }
0xa1: {  	s23 =	simm.s32 $0x1B8B  }
0xa2: {  	_ =	swait.ge [sflag:s23], $0x1  }
0xa3: {  	[sflag:s23] =	ssyncset.done $0x0  }
0xa4: {  	s25 =	simm.s32 $0x1B8E;
	s24 =	sld [smem:$0x3FFE];
	[sflag:s23] =	ssyncadd.s32 $0xFFFFFFFF  }
0xa5: {  	s26 =	simm.s32 $execute0_lowered;
	[smem:$0x3FD2] =	sst s25  }
0xa6: {  	s5 =	sshll.u32 s26, $0x1;
	_ =	strace $0x80000046;
	[dreg:$0x1] =	wrdreg $0xFFFFFFFF  }
0xa7: {  	s28 =	simm.s32 $_size_execute0_lowered;
	s3 =	sadd.s32 s3, s5;
	[dreg:$0x0] =	wrdreg $0x0  }
0xa8: {  	s5 =	sshll.u32 s28, $0x1;
	[dreg:$0x2] =	wrdreg s3  }
0xa9: {  	[dreg:$0x3] =	wrdreg s5  }
0xaa: {  	[dreg:$0x4] =	wrdreg $0xC0  }
0xab: {  	_ =	task [dreg:s7], $0x5FFFF  }
0xac: {  	[dreg:$0x1] =	wrdreg $0xFFFFFFFF  }
0xad: {  	[dreg:$0x0] =	wrdreg $0x60  }
0xae: {  	[dreg:$0x2] =	wrdreg s24  }
0xaf: {  	[dreg:$0x3] =	wrdreg s2  }
0xb0: {  	[dreg:$0x4] =	wrdreg $0x9  }
0xb1: {  	_ =	task.clear_ibuf [dreg:s7], $0x5FFFF;
	_ =	strace $0x90000046  }
0xb2: {  	s29 =	simm.s32 $0x9;
	_ =	strace $0x80000048  }
0xb3: {  	_ =	swait.ge [sflag:s29], $0x1  }
0xb4: {  	[sflag:s29] =	ssyncadd.s32 $0xFFFFFFFF  }
0xb5: {  	_ =	strace $0x90000048  }
0xb6: {  	_ =	sfence  }
0xb7: {  	s30 =	sld [smem:$0x0];
	_ =	sdelay $0x2  }
0xb8: {  	s31 =	sshll.u32 s1, $0xD;
	s1 =	sshrl.u32 s1, $0x2  }
0xb9: {  	s3 =	sand.u32 $0x4000, s31;
	s1 =	sadd.s32 s1, s30  }
0xba: {  	s0 =	sor.u32 s3, s0;
	s1 =	sshll.u32 s1, $0x11  }
0xbb: {  	s0 =	sor.u32 s1, s0  }
0xbc: {  	s0 =	sadd.s32 $0x8F2B, s0  }
0xbd: {  	[sflag:s0] =	ssyncadd.remote.s32 $0x1  }
0xbe: {  	_ =	sfence.sel $0xFFFF  }
0xbf: {  	[dreg:$0x0] =	wrdreg $0xFFFFFFFF;
	(pc) =	sbr.abs _section_cstart, $3  }
0xc0: {  	[dreg:$0x1] =	wrdreg $0xFFFFFFFF  }
0xc1: {  	_ =	task.clear_ibuf [dreg:s7], $0x2FFFF;
	_ =	strace $0x9FFFFFFF  }
0xc2: {  	(tm) =	ssettm $0x7FFFFFFF  }
0xc3: {  	_ =	shalt  }
tec
execute0_lowered:
.L_overlay_start_1:
0x0: {  	(tag) =	ssettag $0x1  }
0x1: {  	s0 =	rddreg [dreg:$0x0]  }
0x2: {  	s1 =	rddreg [dreg:$0x1];
	s2 =	simm.s32 $0x0  }
0x3: {  	s3 =	srdreg.scid;
	s5 =	stileid.u32;
	s12 =	simm.s32 $0x80  }
0x4: {  	s13 =	simm.s32 $0x100;
	s14 =	simm.s32 $0x1;
	s15 =	simm.s32 $0x1000  }
0x5: {  	s16 =	simm.s32 $0x2000;
	s17 =	simm.s32 $0x400;
	s21 =	simm.s32 $0x13B80  }
0x6: {  	s22 =	simm.s32 $0x14C00;
	s4 =	sshrl.u32 s5, $0x3;
	s5 =	sshll.u32 s5, $0x7  }
0x7: {  	s3 =	sand.u32 $0x1, s3;
	[smem:$0x7FF] =	sst s2;
	s5 =	sand.u32 $0x380, s5  }
0x8: {  	s6 =	sshll.u32 s3, $0xC;
	s7 =	sshll.u32 s4, $0xB;
	s23 =	sshll.u32 s3, $0x12  }
0x9: {  	s8 =	sshll.u32 s4, $0x11;
	_ =	strace $0x80000047;
	s25 =	sshll.u32 s3, $0x4  }
0xa: {  	s26 =	ssub.s32 $0x2, s3;
	s3 =	sshll.u32 s3, $0x13;
	s4 =	sshll.u32 s4, $0x12  }
0xb: {  	s6 =	sor.u32 s6, s7;
	s7 =	sor.u32 s23, s8;
	s9 =	sshrl.u32 s26, $0x1  }
0xc: {  	s3 =	sor.u32 s3, s4;
	s23 =	simm.s32 $0x7A80;
	s6 =	sor.u32 s5, s6  }
0xd: {  	s7 =	sor.u32 s5, s7;
	s11 =	ssub.s32 s26, s9;
	s3 =	sor.u32 s5, s3  }
0xe: {  	s6 =	sshrl.u32 s6, $0x3;
	s7 =	sshrl.u32 s7, $0x3;
	s3 =	sshrl.u32 s3, $0x3  }
0xf: {  	s11 =	smax.u32 s11, $0x1;
	s24 =	sadd.s32 s6, s0;
	s6 =	sadd.s32 s25, s0  }
0x10: {  	s0 =	sadd.s32 s7, s0;
	s10 =	sadd.s32 s1, s3;
	s28 =	sadd.s32 $0x3600, s6  }
0x11: {  	v0 =	vlaneseq.u32;
	s25 =	simm.s32 $0x0;
	s29 =	sadd.s32 $0x3200, s6;
	[dreg:$0x3] =	wrdreg s28  }
0x12: {  	v1 =	vmul.u32 $0x4, v0;
	s30 =	sadd.s32 $0x2E00, s6;
	s31 =	sadd.s32 $0x2A00, s24;
	[dreg:$0x4] =	wrdreg s29  }
0x13: {  	v2 =	vimm.s32 $0x0;
	v6 =	vor.u32 $0x10, v0;
	s7 =	sadd.s32 $0x2600, s24;
	s8 =	sadd.s32 $0x2200, s24;
	[dreg:$0x5] =	wrdreg s30  }
0x14: {  	v3 =	vor.u32 $0x1, v1;
	v4 =	vor.u32 $0x2, v1;
	v5 =	vor.u32 $0x3, v1;
	s9 =	sadd.s32 $0x3A00, s0;
	s24 =	simm.s32 $0xBB00;
	[dreg:$0x6] =	wrdreg s31  }
.LBB2_1:
0x15: {  	s0 =	rddreg [dreg:$0x3]  }
0x16: {  	[tilespmem:s2], [sflag:$0x1] =	stream.strided.gather [hbm4b:s0+s12], $0x1000, s13, s12, $0x38;
	[tilespmem:$0x16C80] =	vst v63  }
0x17: {  	_ =	swait.ge [sflag:s14], $0x1000  }
0x18: {  	[sflag:s14] =	ssyncset.done $0x0  }
0x19: {  	s26 =	rddreg [dreg:$0x4];
	[sflag:s14] =	ssyncadd.s32 $0xFFFFF000  }
0x1a: {  	[tilespmem:s15], [sflag:$0x1] =	stream.strided.gather [hbm4b:s26+s12], $0x1000, s13, s12, $0x38;
	[tilespmem:$0x16C80] =	vst v63  }
0x1b: {  	_ =	swait.ge [sflag:s14], $0x1000  }
0x1c: {  	[sflag:s14] =	ssyncset.done $0x0  }
0x1d: {  	s28 =	rddreg [dreg:$0x5];
	[sflag:s14] =	ssyncadd.s32 $0xFFFFF000  }
0x1e: {  	[tilespmem:s16], [sflag:$0x1] =	stream.strided.gather [hbm4b:s28+s12], $0x1000, s13, s12, $0x38;
	[tilespmem:$0x16C80] =	vst v63  }
0x1f: {  	_ =	swait.ge [sflag:s14], $0x1000  }
0x20: {  	[sflag:s14] =	ssyncset.done $0x0  }
0x21: {  	s1 =	simm.s32 $0x7000;
	s29 =	rddreg [dreg:$0x6];
	[sflag:s14] =	ssyncadd.s32 $0xFFFFF000  }
0x22: {  	[tilespmem:s1], [sflag:$0x1] =	stream.strided.gather [hbm4b:s29+s12], $0x100, s17, s12, $0x38;
	[tilespmem:$0x16C80] =	vst v63  }
0x23: {  	_ =	swait.ge [sflag:s14], $0x100  }
0x24: {  	[sflag:s14] =	ssyncset.done $0x0  }
0x25: {  	s30 =	simm.s32 $0x7180;
	[sflag:s14] =	ssyncadd.s32 $0xFFFFFF00  }
0x26: {  	[tilespmem:s30], [sflag:$0x1] =	stream.strided.gather [hbm4b:s7+s12], $0x100, s17, s12, $0x38;
	[tilespmem:$0x16C80] =	vst v63  }
0x27: {  	_ =	swait.ge [sflag:s14], $0x100  }
0x28: {  	[sflag:s14] =	ssyncset.done $0x0  }
0x29: {  	s31 =	simm.s32 $0x7300;
	[sflag:s14] =	ssyncadd.s32 $0xFFFFFF00  }
0x2a: {  	[tilespmem:s31], [sflag:$0x1] =	stream.strided.gather [hbm4b:s8+s12], $0x100, s17, s12, $0x38;
	[tilespmem:$0x16C80] =	vst v63  }
0x2b: {  	_ =	swait.ge [sflag:s14], $0x100  }
0x2c: {  	[sflag:s14] =	ssyncset.done $0x0  }
0x2d: {  	s1 =	simm.s32 $0x0;
	[sflag:s14] =	ssyncadd.s32 $0xFFFFFF00  }
0x2e: {  	v7 =	vld [tilespmem:s1+$0x0]  }
0x2f: {  	v8 =	vld [tilespmem:s1+$0x1000]  }
0x30: {  	v11 =	vld [tilespmem:s1+$0x2000];
	_ =	sdelay $0x3  }
0x31: {  	s0 =	simm.s32 $0x10;
	v10 =	vmul.f32 v7, v7;
	v12 =	vmul.f32 v8, v8;
	v13 =	vshrl.u32 v7, $0x10  }
0x32: {  	v9 =	vld [tilespmem:s0+$0x0];
	v14 =	vshrl.u32 v8, $0x10;
	v15 =	vmul.f32 v11, v11;
	v16 =	vshrl.u32 v11, $0x10  }
0x33: {  	v13 =	vand.u32 $0x1, v13;
	v14 =	vand.u32 $0x1, v14;
	v12 =	vadd.f32 v12, v10;
	v10 =	vld [tilespmem:s0+$0x1000]  }
0x34: {  	v7 =	vadd.s32 v13, v7;
	v13 =	vadd.s32 v14, v8;
	v14 =	vand.u32 $0x1, v16  }
0x35: {  	v8 =	vld [tilespmem:s0+$0x2000];
	v7 =	vadd.s32 $0x7FFF, v7;
	v11 =	vadd.s32 v14, v11  }
0x36: {  	v13 =	vadd.s32 $0x7FFF, v13;
	v12 =	vadd.f32 v15, v12;
	v7 =	vand.u32 $0xFFFF0000, v7  }
0x37: {  	v11 =	vadd.s32 $0x7FFF, v11;
	v15 =	vshrl.u32 v9, $0x10;
	v16 =	vand.u32 $0xFFFF0000, v13;
	[tilespmem:s1+$0x3000] =	vst v7  }
0x38: {  	s3 =	simm.s32 $0x20;
	[tilespmem:s1+$0x6000] =	vst v12;
	v12 =	vmul.f32 v9, v9;
	v13 =	vshrl.u32 v10, $0x10;
	v14 =	vmul.f32 v10, v10  }
0x39: {  	s4 =	simm.s32 $0xC0;
	v11 =	vand.u32 $0xFFFF0000, v11;
	v15 =	vand.u32 $0x1, v15;
	v7 =	vld [tilespmem:s3+$0x0];
	[tilespmem:s1+$0x4000] =	vst v16;
	v13 =	vand.u32 $0x1, v13  }
.LBB2_2:
0x3a: {  	p0 =	sne.s32 s4, $0x3FC0;
	v16 =	vld [tilespmem:s3+$0x1000];
	v17 =	vshrl.u32 v8, $0x10;
	v12 =	vadd.f32 v14, v12;
	v14 =	vmul.f32 v8, v8;
	[tilespmem:s1+$0x5000] =	vst v11;
	s1 =	smov.u32 s0;
	s0 =	smov.u32 s3  }
0x3b: {  	v9 =	vadd.s32 v15, v9;
	v10 =	vadd.s32 v13, v10;
	v11 =	vand.u32 $0x1, v17  }
.Ltmp0:
0x3c: {  	v18 =	vadd.s32 $0x7FFF, v9;
	v11 =	vadd.s32 v11, v8;
	v8 =	vld [tilespmem:s0+$0x2000];
	v12 =	vadd.f32 v14, v12;
	(pc) =	sbr.rel @p0 .LBB2_2-.Ltmp0, $4  }
0x3d: {  	v13 =	vand.u32 $0xFFFF0000, v18;
	v14 =	vadd.s32 $0x7FFF, v10;
	v19 =	vadd.s32 $0x7FFF, v11  }
0x3e: {  	v17 =	vand.u32 $0xFFFF0000, v14;
	v15 =	vshrl.u32 v7, $0x10;
	v11 =	vand.u32 $0xFFFF0000, v19;
	[tilespmem:s1+$0x6000] =	vst v12;
	v9 =	vmovc v7  }
0x3f: {  	s3 =	sshra.s32 s4, $0x2;
	v18 =	vshrl.u32 v16, $0x10;
	v12 =	vmul.f32 v7, v9;
	v14 =	vmul.f32 v16, v16;
	[tilespmem:s1+$0x3000] =	vst v13;
	v10 =	vmovc v16  }
0x40: {  	s4 =	sadd.s32 $0x40, s4;
	v15 =	vand.u32 $0x1, v15;
	v7 =	vld [tilespmem:s3+$0x0];
	v13 =	vand.u32 $0x1, v18;
	[tilespmem:s1+$0x4000] =	vst v17  }
0x41: {  	v16 =	vld [tilespmem:s3+$0x1000];
	v17 =	vshrl.u32 v8, $0x10;
	[tilespmem:s1+$0x5000] =	vst v11;
	v51 =	vadd.f32 v14, v12  }
0x42: {  	v52 =	vmul.f32 v8, v8;
	v9 =	vadd.s32 v15, v9;
	v10 =	vadd.s32 v13, v10;
	v53 =	vld [tilespmem:s3+$0x2000]  }
0x43: {  	v54 =	vand.u32 $0x1, v17;
	v9 =	vadd.s32 $0x7FFF, v9;
	v10 =	vadd.s32 $0x7FFF, v10  }
0x44: {  	v8 =	vadd.s32 v54, v8;
	v11 =	vadd.f32 v52, v51;
	v9 =	vand.u32 $0xFFFF0000, v9  }
0x45: {  	v10 =	vand.u32 $0xFFFF0000, v10;
	v8 =	vadd.s32 $0x7FFF, v8;
	v55 =	vmul.f32 v7, v7  }
0x46: {  	v57 =	vshrl.u32 v7, $0x10;
	v8 =	vand.u32 $0xFFFF0000, v8;
	v56 =	vmul.f32 v16, v16  }
0x47: {  	[tilespmem:s0+$0x3000] =	vst v9;
	v58 =	vshrl.u32 v16, $0x10;
	v60 =	vand.u32 $0x1, v57;
	v59 =	vmul.f32 v53, v53  }
0x48: {  	[tilespmem:s0+$0x6000] =	vst v11;
	v11 =	vand.u32 $0x1, v58;
	v61 =	vshrl.u32 v53, $0x10;
	v7 =	vadd.s32 v60, v7  }
0x49: {  	[tilespmem:s0+$0x5000] =	vst v8;
	v12 =	vadd.f32 v56, v55;
	v8 =	vadd.s32 v11, v16;
	v7 =	vadd.s32 $0x7FFF, v7  }
0x4a: {  	p2 =	por $0x1, $0x1;
	[tilespmem:s0+$0x4000] =	vst v10;
	v10 =	vand.u32 $0x1, v61;
	v7 =	vand.u32 $0xFFFF0000, v7;
	v8 =	vadd.s32 $0x7FFF, v8  }
.Ltmp1:
0x4b: {  	v10 =	vadd.s32 v10, v53;
	v62 =	vadd.f32 v59, v12;
	v8 =	vand.u32 $0xFFFF0000, v8;
	[tilespmem:s3+$0x3000] =	vst v7;
	(pc) =	sbr.rel @!p2 .LBB2_4-.Ltmp1, $4  }
0x4c: {  	v63 =	vadd.s32 $0x7FFF, v10;
	[tilespmem:s3+$0x4000] =	vst v8  }
0x4d: {  	v7 =	vand.u32 $0xFFFF0000, v63;
	[tilespmem:s3+$0x6000] =	vst v62  }
0x4e: {  	s0 =	simm.s32 $0x0;
	[tilespmem:s3+$0x5000] =	vst v7  }
0x4f: {  	s26 =	simm.s32 $0x0;
	p0 =	por $0x0, $0x0;
	p1 =	por $0x0, $0x0;
	v7 =	vld [tilespmem:s0+$0x7000]  }
0x50: {  	v9 =	vld [tilespmem:s0+$0x7180]  }
0x51: {  	p2 =	por $0x1, $0x1  }
.Ltmp2:
0x52: {  	s3 =	simm.s32 $0x10;
	(pc) =	sbr.rel @!p2 .LBB2_6-.Ltmp2, $3  }
0x53: {  	v8 =	vld [tilespmem:s3+$0x7000];
	_ =	sdelay $0x1  }
0x54: {  	v11 =	vshrl.u32 v7, $0x10;
	v10 =	vmul.f32 v7, v7;
	v14 =	vshrl.u32 v9, $0x10  }
0x55: {  	v13 =	vld [tilespmem:s0+$0x7300];
	p0 =	por $0x1, $0x1;
	v12 =	vmul.f32 v9, v9;
	v16 =	vand.u32 $0x1, v11;
	v14 =	vand.u32 $0x1, v14  }
0x56: {  	_ =	sdelay $0x2  }
0x57: {  	v15 =	vld [tilespmem:s3+$0x7180];
	v7 =	vadd.s32 v16, v7  }
0x58: {  	v10 =	vadd.f32 v12, v10;
	v7 =	vadd.s32 $0x7FFF, v7;
	v11 =	vmul.f32 v13, v13  }
0x59: {  	p2 =	por $0x1, $0x1;
	v7 =	vand.u32 $0xFFFF0000, v7;
	v12 =	vshrl.u32 v13, $0x10  }
.Ltmp3:
0x5a: {  	v12 =	vand.u32 $0x1, v12;
	v10 =	vadd.f32 v11, v10;
	v11 =	vadd.s32 v14, v9;
	v9 =	vld [tilespmem:s3+$0x7300];
	(pc) =	sbr.rel @!p2 .LBB2_8-.Ltmp3, $4  }
0x5b: {  	v12 =	vadd.s32 v12, v13;
	v13 =	vshrl.u32 v8, $0x10;
	v11 =	vadd.s32 $0x7FFF, v11  }
0x5c: {  	v14 =	vshrl.u32 v15, $0x10;
	[tilespmem:s0+$0x7900] =	vst v10;
	v10 =	vadd.s32 $0x7FFF, v12;
	v17 =	vand.u32 $0xFFFF0000, v11  }
0x5d: {  	s1 =	simm.s32 $0x20;
	[tilespmem:s0+$0x7480] =	vst v7;
	v12 =	vmul.f32 v15, v15;
	v11 =	vand.u32 $0xFFFF0000, v10;
	v10 =	vmul.f32 v8, v8  }
0x5e: {  	s4 =	simm.s32 $0xC0;
	p1 =	por $0x1, $0x1;
	v16 =	vand.u32 $0x1, v13;
	v14 =	vand.u32 $0x1, v14;
	v7 =	vld [tilespmem:s1+$0x7000];
	[tilespmem:s0+$0x7600] =	vst v17  }
.LBB2_9:
0x5f: {  	p2 =	sne.s32 s4, $0x3C0;
	v13 =	vld [tilespmem:s1+$0x7180];
	v17 =	vshrl.u32 v9, $0x10;
	v10 =	vadd.f32 v12, v10;
	v12 =	vmul.f32 v9, v9;
	[tilespmem:s0+$0x7780] =	vst v11;
	s0 =	smov.u32 s3;
	s3 =	smov.u32 s1  }
0x60: {  	v8 =	vadd.s32 v16, v8;
	v11 =	vadd.s32 v14, v15;
	v14 =	vand.u32 $0x1, v17  }
.Ltmp4:
0x61: {  	v15 =	vadd.s32 $0x7FFF, v8;
	v14 =	vadd.s32 v14, v9;
	v9 =	vld [tilespmem:s3+$0x7300];
	v10 =	vadd.f32 v12, v10;
	(pc) =	sbr.rel @p2 .LBB2_9-.Ltmp4, $4  }
0x62: {  	v16 =	vand.u32 $0xFFFF0000, v15;
	v12 =	vadd.s32 $0x7FFF, v11;
	v11 =	vadd.s32 $0x7FFF, v14  }
0x63: {  	v17 =	vand.u32 $0xFFFF0000, v12;
	v14 =	vshrl.u32 v7, $0x10;
	v11 =	vand.u32 $0xFFFF0000, v11;
	[tilespmem:s0+$0x7900] =	vst v10;
	v8 =	vmovc v7  }
0x64: {  	s1 =	sshra.s32 s4, $0x2;
	v18 =	vshrl.u32 v13, $0x10;
	v10 =	vmul.f32 v7, v8;
	v12 =	vmul.f32 v13, v13;
	[tilespmem:s0+$0x7480] =	vst v16;
	v15 =	vmovc v13  }
0x65: {  	s4 =	sadd.s32 $0x40, s4;
	v16 =	vand.u32 $0x1, v14;
	v7 =	vld [tilespmem:s1+$0x7000];
	v14 =	vand.u32 $0x1, v18;
	[tilespmem:s0+$0x7600] =	vst v17  }
0x66: {  	s4 =	smov.u32 s0;
	v13 =	vmov v9;
	s0 =	smov.u32 s3;
	v17 =	vmov v8;
	v9 =	vmov v15  }
.LBB2_11:
0x67: {  	v8 =	vld [tilespmem:s1+$0x7180];
	v15 =	vshrl.u32 @p0 v13, $0x10;
	v10 =	vadd.f32 @p0 v12, v10;
	[tilespmem:s4+$0x7780] =	vst @p1 v11;
	v11 =	vmul.f32 @p0 v13, v13  }
0x68: {  	v12 =	vadd.s32 @p0 v16, v17;
	v9 =	vadd.s32 @p0 v14, v9;
	v15 =	vand.u32 @p0 $0x1, v15  }
0x69: {  	v55 =	vld [tilespmem:s1+$0x7300];
	v12 =	vadd.s32 @p0 $0x7FFF, v12;
	v9 =	vadd.s32 @p0 $0x7FFF, v9;
	v13 =	vadd.s32 @p0 v15, v13  }
0x6a: {  	v10 =	vadd.f32 @p0 v11, v10;
	v11 =	vand.u32 @p0 $0xFFFF0000, v12;
	v9 =	vand.u32 @p0 $0xFFFF0000, v9  }
0x6b: {  	v12 =	vadd.s32 @p0 $0x7FFF, v13;
	v56 =	vmul.f32 v7, v7;
	v58 =	vshrl.u32 v7, $0x10  }
0x6c: {  	v12 =	vand.u32 @p0 $0xFFFF0000, v12;
	v61 =	vand.u32 $0x1, v58;
	v57 =	vmul.f32 v8, v8  }
0x6d: {  	[tilespmem:s0+$0x7480] =	vst @p0 v11;
	v59 =	vshrl.u32 v8, $0x10;
	v12 =	vpsel p0, v12, v0;
	v7 =	vadd.s32 v61, v7  }
0x6e: {  	[tilespmem:s0+$0x7900] =	vst @p0 v10;
	v60 =	vmul.f32 v55, v55;
	v10 =	vand.u32 $0x1, v59;
	v62 =	vshrl.u32 v55, $0x10  }
0x6f: {  	[tilespmem:s0+$0x7600] =	vst @p0 v9;
	s0 =	smov.u32 @p0 s0;
	v7 =	vadd.s32 $0x7FFF, v7;
	v13 =	vadd.f32 v57, v56;
	v8 =	vadd.s32 v10, v8  }
0x70: {  	[tilespmem:s0+$0x7780] =	vst @p0 v12;
	v9 =	vand.u32 $0x1, v62;
	v7 =	vand.u32 $0xFFFF0000, v7;
	v8 =	vadd.s32 $0x7FFF, v8  }
0x71: {  	v9 =	vadd.s32 v9, v55;
	[tilespmem:s1+$0x7480] =	vst v7;
	v63 =	vadd.f32 v60, v13;
	v8 =	vand.u32 $0xFFFF0000, v8  }
0x72: {  	v9 =	vadd.s32 $0x7FFF, v9;
	[tilespmem:s1+$0x7600] =	vst v8  }
0x73: {  	v7 =	vand.u32 $0xFFFF0000, v9;
	[tilespmem:s1+$0x7900] =	vst v63  }
0x74: {  	[tilespmem:s1+$0x7780] =	vst v7  }
.LBB2_12:
0x75: {  	v13 =	vld.msk [tilespmem:s26+$0x7480 ss:$0x0], $0xffff  }
0x76: {  	v14 =	vld.msk [tilespmem:s26+$0x7600 ss:$0x0], $0xffff  }
0x77: {  	v15 =	vld.msk [tilespmem:s26+$0x7780 ss:$0x0], $0xffff  }
0x78: {  	v16 =	vld.msk [tilespmem:s26+$0x7900 ss:$0x0], $0xffff;
	s0 =	simm.s32 $0x3020  }
0x79: {  	s1 =	simm.s32 $0x6020;
	v9 =	vld [tilespmem:s0+$0xFFFFFFE0]  }
0x7a: {  	s3 =	simm.s32 $0x5020;
	v11 =	vld [tilespmem:s1+$0x10]  }
0x7b: {  	s4 =	simm.s32 $0x4020;
	v12 =	vld [tilespmem:s3+$0xFFFFFFF0]  }
0x7c: {  	v7 =	vld [tilespmem:s4+$0x10]  }
0x7d: {  	v10 =	vld [tilespmem:s3+$0x10]  }
0x7e: {  	v17 =	vld [tilespmem:s0+$0x10]  }
0x7f: {  	v18 =	vld [tilespmem:s4+$0xFFFFFFE0]  }
0x80: {  	v19 =	vld [tilespmem:s3+$0xFFFFFFE0]  }
0x81: {  	v20 =	vld [tilespmem:s4+$0xFFFFFFF0]  }
0x82: {  	v21 =	vld [tilespmem:s0+$0xFFFFFFF0]  }
0x83: {  	s29 =	sshll.u32 s26, $0x4;
	v22 =	vld [tilespmem:s4+$0x0]  }
0x84: {  	s5 =	sadd.s32 $0xFFFFFFFF, s29;
	v25 =	vld [tilespmem:s0+$0x0]  }
0x85: {  	s28 =	sshll.u32 s26, $0x5;
	v26 =	vld [tilespmem:s1+$0xFFFFFFE0];
	v8 =	vmov s5;
	s5 =	simm.s32 $0x3060  }
0x86: {  	s18 =	sadd.s32 $0xFFFFFFFF, s28;
	v46 =	vld [tilespmem:s5+$0xFFFFFFF0]  }
0x87: {  	s30 =	simm.s32 $0x0;
	v50 =	vld [tilespmem:s5+$0x0];
	v17 =	vmul.f32 v17, v13;
	v23 =	vmul.f32 v7, v14;
	v7 =	vmov s18;
	s18 =	simm.s32 $0x5060  }
0x88: {  	s19 =	sadd.s32 $0x10, s29;
	v33 =	vor.u32 s30, v0;
	v24 =	vmul.f32 v9, v13;
	v18 =	vmul.f32 v18, v14;
	v28 =	vld [tilespmem:s18+$0xFFFFFFF0]  }
0x89: {  	v9 =	vmov s19;
	v19 =	vmul.f32 v19, v15;
	v20 =	vmul.f32 v20, v14;
	v32 =	vld [tilespmem:s18+$0x0]  }
0x8a: {  	s20 =	sadd.s32 $0x20, s28;
	v21 =	vmul.f32 v21, v13;
	v12 =	vmul.f32 v12, v15;
	v38 =	vld [tilespmem:s18+$0xFFFFFFE0];
	v17 =	vadd.f32 v23, v17  }
0x8b: {  	s19 =	simm.s32 $0x30;
	v23 =	vmul.f32 v10, v15;
	v10 =	vmov s20;
	v18 =	vadd.f32 v18, v24;
	v24 =	vld [tilespmem:s3+$0x0];
	s20 =	simm.s32 $0x4060  }
0x8c: {  	v27 =	vadd.f32 v11, v16;
	v30 =	vor.u32 s19, v0;
	v46 =	vmul.f32 v46, v13;
	v34 =	vld [tilespmem:s20+$0x10]  }
0x8d: {  	v41 =	vld [tilespmem:s20+$0xFFFFFFF0];
	v17 =	vadd.f32 v23, v17;
	v11 =	vadd.f32 v19, v18;
	v18 =	vmul.f32 v22, v14  }
0x8e: {  	s3 =	sshllo.u32 s26, $0x4;
	v44 =	vld [tilespmem:s20+$0xFFFFFFE0];
	v19 =	vadd.f32 v20, v21;
	v20 =	vmul.f32 v25, v13;
	v21 =	vadd.f32 v26, v16  }
0x8f: {  	s6 =	simm.s32 $0x6060;
	v23 =	vld [tilespmem:s1+$0xFFFFFFF0];
	v17 =	vadd.f32 v17, v17;
	v22 =	vadd.f32 v11, v11;
	v11 =	vmov s3  }
0x90: {  	v26 =	vld [tilespmem:s6+$0x10];
	v12 =	vadd.f32 v12, v19;
	v32 =	vmul.f32 v32, v15;
	v28 =	vmul.f32 v28, v15  }
0x91: {  	v25 =	vld [tilespmem:s1+$0x0];
	v18 =	vadd.f32 v18, v20;
	v53 =	vmul.f32 v38, v15;
	v19 =	vmul.f32 v24, v15  }
0x92: {  	v17 =	vsub.f32 v27, v17;
	v20 =	vsub.f32 v21, v22;
	v49 =	vmul.f32 v41, v14  }
0x93: {  	v12 =	vadd.f32 v12, v12;
	v34 =	vmul.f32 v34, v14;
	v44 =	vmul.f32 v44, v14  }
0x94: {  	v41 =	vmul.f32 v50, v13;
	v21 =	vadd.f32 v23, v16;
	v18 =	vadd.f32 v19, v18  }
0x95: {  	v26 =	vadd.f32 v26, v16;
	vm0 =	vle.f32 v17, $3.999999910e-02;
	vm4 =	vle.f32 v20, $9.999999770e-03  }
0x96: {  	vm5 =	vle.f32 v17, $9.999999770e-03;
	v17 =	vadd.f32 v25, v16;
	vm3 =	vle.f32 v20, $3.999999910e-02  }
0x97: {  	v56 =	vadd.f32 v49, v46;
	v19 =	vsel vm0, $0x1, v2;
	v21 =	vsub.f32 v21, v12  }
0x98: {  	s4 =	sshllo.u32 s26, $0x5;
	v23 =	vld [tilespmem:s6+$0xFFFFFFF0];
	v12 =	vsel vm4, $0x1, v2;
	v18 =	vadd.f32 v18, v18;
	v24 =	vmpcnt.ones.xlane vm3;
	(xrf0) =	vadd.scan.msk.s32 $0xffff, v19  }
0x99: {  	v36 =	vld [tilespmem:s18+$0x10];
	v19 =	vsel vm5, $0x1, v2;
	v28 =	vadd.f32 v28, v56;
	(xrf0) =	vadd.scan.msk.s32 $0xffff, v12;
	v12 =	vmov s4  }
0x9a: {  	vm2 =	vle.f32 v21, $9.999999770e-03;
	v17 =	vsub.f32 v17, v18;
	vm1 =	vle.f32 v21, $3.999999910e-02  }
0x9b: {  	v18 =	vmpcnt.ones.xlane vm4;
	v24 =	vadd.s32 v7, v24;
	(xrf0) =	vadd.scan.msk.s32 $0xffff, v19;
	v19 =	vsel vm2, $0x1, v2  }
0x9c: {  	v22 =	vld [tilespmem:s5+$0xFFFFFFE0];
	v20 =	vsel vm1, $0x1, v2;
	vm2 =	vmmov vm2;
	vm7 =	vle.f32 v17, $9.999999770e-03  }
0x9d: {  	v35 =	vmpcnt.ones.xlane vm1;
	v54 =	vadd.f32 v23, v16;
	(xrf0) =	vadd.scan.msk.s32 $0xffff, v19;
	v27 =	vmpcnt.ones.xlane vm7  }
0x9e: {  	v23 =	vmul.f32 v36, v15;
	v28 =	vadd.f32 v28, v28;
	v21 =	vmpcnt.ones.xlane vm2;
	(xrf0) =	vadd.scan.msk.s32 $0xffff, v20  }
0x9f: {  	v19 =	vsel vm3, $0x1, v2;
	v18 =	vadd.s32 v8, v18;
	v20 =	vmpcnt.ones.xlane vm5;
	v25, _, _ =	vpop (xrf0)  }
0xa0: {  	v39 =	vsel vm7, $0x1, v2;
	v35 =	vadd.s32 v24, v35;
	v29 =	vadd.s32 v18, v21;
	v31, _, _ =	vpop (xrf0)  }
0xa1: {  	v28 =	vsub.f32 v54, v28;
	v21 =	vadd.s32 v29, v27;
	(xrf0) =	vadd.scan.msk.s32 $0xffff, v19;
	v19 =	vmul.f32 v22, v13;
	v27, _, _ =	vpop (xrf0)  }
0xa2: {  	v22 =	vmpcnt.ones.xlane vm0;
	v31 =	vadd.s32 v8, v31;
	v27 =	vadd.s32 v21, v27  }
0xa3: {  	v51 =	vld [tilespmem:s6+$0x0];
	(xrf0) =	vadd.scan.msk.s32 $0xffff, v39;
	v37, _, _ =	vpop (xrf0);
	vm9 =	vlt.s32 v31, v11;
	v19 =	vadd.f32 v44, v19;
	vm6 =	vlt.s32 v27, v9  }
0xa4: {  	vm8 =	vlt.s32 v27, v11;
	v40, _, _ =	vpop (xrf0);
	v37 =	vadd.s32 v18, v37;
	v18 =	vld [tilespmem:s5+$0x10];
	vm6 =	vmand vm5, vm6  }
0xa5: {  	v27 =	vsel vm8, v27, v11;
	v40 =	vadd.s32 v24, v40;
	vm5 =	vle.f32 v17, $3.999999910e-02  }
0xa6: {  	vm8 =	vlt.s32 v31, v9;
	v17 =	vld [tilespmem:s20+$0x0];
	v19 =	vadd.f32 v53, v19;
	v42 =	vmpcnt.ones.xlane vm5  }
0xa7: {  	v31 =	vsel vm9, v31, v11;
	vm8 =	vmand vm4, vm8;
	v45 =	vsel vm5, $0x1, v2;
	v43, _, _ =	vpop (xrf0)  }
0xa8: {  	v60 =	vadd.f32 v19, v19;
	v43 =	vadd.s32 v7, v43;
	v24 =	vadd.s32 v35, v42  }
0xa9: {  	v55, _, _ =	vpop (xrf0);
	v42 =	vadd.f32 v51, v16;
	vm4 =	vlt.s32 v43, v12;
	v18 =	vmul.f32 v18, v13  }
0xaa: {  	v52 =	vld [tilespmem:s6+$0xFFFFFFE0];
	(xrf0) =	vadd.scan.msk.s32 $0xffff, v45;
	v25 =	vadd.s32 v24, v25;
	vm11 =	vlt.s32 v43, v10;
	v62 =	vadd.s32 v29, v55  }
0xab: {  	v47 =	vsel vm4, v43, v12;
	v17 =	vmul.f32 v17, v14;
	vm4 =	vlt.s32 v40, v10  }
0xac: {  	vm9 =	vlt.s32 v25, v10;
	vm10 =	vlt.s32 v25, v12;
	vm3 =	vmand vm3, vm11  }
0xad: {  	vm11 =	vlt.s32 v37, v11;
	vm12 =	vlt.s32 v62, v9;
	v18 =	vadd.f32 v34, v18  }
0xae: {  	vm13 =	vlt.s32 v62, v11;
	vm1 =	vmand vm1, vm4;
	v58 =	vsel vm10, v25, v12  }
0xaf: {  	v25 =	vadd.f32 v52, v16;
	vm10 =	vlt.s32 v37, v9;
	v18 =	vadd.f32 v23, v18  }
0xb0: {  	vm9 =	vmand vm0, vm9;
	v59 =	vadd.f32 v17, v41;
	vm10 =	vmand vm2, vm10;
	v57, _, _ =	vpop (xrf0)  }
0xb1: {  	v61 =	vsub.f32 v25, v60;
	v23 =	vadd.s32 v35, v57;
	v18 =	vadd.f32 v18, v18  }
0xb2: {  	v19 =	vld [tilespmem:s26+$0x7300];
	v25 =	vsel vm11, v37, v11;
	vm11 =	vle.f32 v28, $9.999999770e-03;
	vm4 =	vlt.s32 v23, v10  }
0xb3: {  	v17 =	vld [tilespmem:s26+$0x7000];
	vm4 =	vmand vm5, vm4;
	vm5 =	vlt.s32 v23, v12;
	v26 =	vsub.f32 v26, v18  }
0xb4: {  	v32 =	vadd.f32 v32, v59;
	v23 =	vsel vm5, v23, v12;
	v18 =	vld [tilespmem:s26+$0x7180];
	[tilespmem:v31+s21+$0x0] =	vst.idx.msk vm8, v33;
	vm8 =	vle.f32 v61, $9.999999770e-03  }
0xb5: {  	[tilespmem:v27+s21+$0x0] =	vst.idx.msk vm6, v30;
	v31 =	vsel vm11, $0x1, v2;
	vm6 =	vle.f32 v28, $3.999999910e-02;
	vm0 =	vle.f32 v26, $3.999999910e-02  }
0xb6: {  	vm5 =	vle.f32 v26, $9.999999770e-03;
	v26 =	vadd.f32 v32, v32;
	v27 =	vsel vm0, $0x1, v2  }
0xb7: {  	[tilespmem:v47+s22+$0x0] =	vst.idx.msk vm3, v33;
	vm3 =	vle.f32 v61, $3.999999910e-02;
	v63 =	vsel vm8, $0x1, v2;
	(xrf0) =	vadd.scan.msk.s32 $0xffff, v27  }
0xb8: {  	s31 =	simm.s32 $0x60;
	s0 =	simm.s32 $0x40;
	s19 =	simm.s32 $0x20;
	v29 =	vmpcnt.ones.xlane vm8;
	[tilespmem:v58+s22+$0x0] =	vst.idx.msk vm9, v30;
	vm9 =	vmand vm7, vm12;
	v26 =	vsub.f32 v42, v26  }
0xb9: {  	s18 =	simm.s32 $0x40;
	s1 =	simm.s32 $0x4;
	s3 =	simm.s32 $0x60A0;
	vm7 =	vlt.s32 v40, v12;
	v30 =	vsel vm13, v62, v11;
	v28 =	vsel vm5, $0x1, v2;
	(xrf0) =	vadd.scan.msk.s32 $0xffff, v63  }
0xba: {  	s4 =	simm.s32 $0x30A0;
	s5 =	simm.s32 $0x40A0;
	s20 =	simm.s32 $0x50A0;
	v27 =	vsel vm6, $0x1, v2;
	(xrf0) =	vadd.scan.msk.s32 $0xffff, v28;
	vm2 =	vle.f32 v26, $9.999999770e-03;
	v28 =	vsel vm7, v40, v12  }
.LBB2_13:
0xbb: {  	v33 =	vsel vm3, $0x1, v2  }
0xbc: {  	v32 =	vld [tilespmem:s4+$0xFFFFFFE0];
	s1 =	sadd.s32 $0x4, s1;
	s18 =	sadd.s32 $0x40, s18;
	(xrf0) =	vadd.scan.msk.s32 $0xffff, v31;
	v31 =	vadd.s32 v21, v20;
	v24 =	vadd.s32 v24, v22;
	vm7 =	vmmov vm11  }
0xbd: {  	v21 =	vmpcnt.ones.xlane vm3;
	s30 =	sadd.s32 $0x10, s30;
	v36 =	vor.u32 s19, v0;
	v34 =	vld [tilespmem:s3+$0xFFFFFFF0];
	s6 =	sadd.s32 $0x20, s18;
	p0 =	slt.u32 s1, $0xFC;
	v20 =	vmpcnt.ones.xlane vm7;
	(xrf0) =	vadd.scan.msk.s32 $0xffff, v27;
	v35, _, _ =	vpop (xrf0)  }
0xbe: {  	v44 =	vmpcnt.ones.xlane vm2;
	s19 =	sadd.s32 $0x30, s0;
	v38 =	vadd.s32 v31, v29;
	v37 =	vld [tilespmem:s3+$0x10];
	(xrf0) =	vadd.scan.msk.s32 $0xffff, v33;
	v33 =	vor.u32 s30, v0;
	s30 =	smov.u32 s0;
	s0 =	smov.u32 s18  }
0xbf: {  	v27 =	vor.u32 s19, v0;
	s19 =	smov.u32 s31;
	s31 =	smov.u32 s6;
	v39 =	vld [tilespmem:s20+$0xFFFFFFF0];
	v29 =	vadd.s32 v38, v20;
	v20 =	vmpcnt.ones.xlane vm5;
	v40, _, _ =	vpop (xrf0)  }
0xc0: {  	v43 =	vadd.s32 v24, v21;
	v42 =	vor.u32 s30, v0;
	v41 =	vld [tilespmem:s20+$0x0];
	v21 =	vadd.s32 v29, v44;
	v22, _, _ =	vpop (xrf0);
	[tilespmem:v25+s21+$0x0] =	vst.idx.msk vm10, v33  }
0xc1: {  	v44 =	vmpcnt.ones.xlane vm6;
	v25 =	vmul.f32 v32, v13;
	v32 =	vld [tilespmem:s5+$0x10];
	v45 =	vadd.s32 v21, v22;
	[tilespmem:v30+s21+$0x0] =	vst.idx.msk vm9, v36  }
0xc2: {  	v22 =	vmpcnt.ones.xlane vm0;
	v30 =	vld [tilespmem:s20+$0x10];
	vm9 =	vlt.s32 v45, v9;
	vm10 =	vlt.s32 v45, v11;
	v46, _, _ =	vpop (xrf0);
	[tilespmem:v23+s22+$0x0] =	vst.idx.msk vm4, v36  }
0xc3: {  	v36 =	vsel vm2, $0x1, v2;
	v23 =	vld [tilespmem:s20+$0xFFFFFFE0];
	vm4 =	vmand vm5, vm9;
	v45 =	vsel vm10, v45, v11;
	v47, _, _ =	vpop (xrf0);
	[tilespmem:v28+s22+$0x0] =	vst.idx.msk vm1, v33  }
0xc4: {  	v31 =	vadd.s32 v31, v40;
	v38 =	vadd.s32 v38, v46;
	v33 =	vld [tilespmem:s5+$0xFFFFFFF0];
	v28 =	vadd.s32 v43, v47;
	v40, _, _ =	vpop (xrf0);
	(xrf0) =	vadd.scan.msk.s32 $0xffff, v36  }
0xc5: {  	vm1 =	vlt.s32 v31, v9;
	vm9 =	vlt.s32 v31, v11;
	vm5 =	vle.f32 v26, $3.999999910e-02;
	v36 =	vld [tilespmem:s4+$0x10]  }
0xc6: {  	vm1 =	vmand vm8, vm1;
	v31 =	vsel vm9, v31, v11;
	v46 =	vmpcnt.ones.xlane vm5;
	v26 =	vld [tilespmem:s5+$0x0]  }
0xc7: {  	v43 =	vadd.s32 v43, v44;
	v44 =	vsel vm5, $0x1, v2;
	v41 =	vmul.f32 v41, v15;
	v47 =	vld [tilespmem:s5+$0xFFFFFFE0]  }
0xc8: {  	v39 =	vmul.f32 v39, v15;
	v40 =	vadd.s32 v24, v40;
	v24 =	vadd.s32 v43, v46;
	v48 =	vld [tilespmem:s4+$0xFFFFFFF0]  }
0xc9: {  	v37 =	vadd.f32 v37, v16;
	vm8 =	vlt.s32 v40, v12;
	v33 =	vmul.f32 v33, v14;
	v46 =	vld [tilespmem:s4+$0x0]  }
0xca: {  	v50 =	vsel vm8, v40, v12;
	v35 =	vadd.s32 v24, v35;
	v49 =	vld [tilespmem:s3+$0x0];
	v36 =	vmul.f32 v36, v13;
	v51, _, _ =	vpop (xrf0);
	(xrf0) =	vadd.scan.msk.s32 $0xffff, v44  }
0xcb: {  	vm9 =	vlt.s32 v28, v10;
	v32 =	vmul.f32 v32, v14;
	v26 =	vmul.f32 v26, v14  }
0xcc: {  	vm8 =	vlt.s32 v35, v10;
	vm10 =	vlt.s32 v35, v12;
	v44 =	vmul.f32 v47, v14  }
0xcd: {  	vm11 =	vlt.s32 v40, v10;
	v32 =	vadd.f32 v32, v36;
	v47 =	vld [tilespmem:s3+$0xFFFFFFE0];
	v48 =	vmul.f32 v48, v13  }
0xce: {  	v34 =	vadd.f32 v34, v16;
	v23 =	vmul.f32 v23, v15;
	v36 =	vmul.f32 v46, v13  }
0xcf: {  	v30 =	vmul.f32 v30, v15;
	v40 =	vadd.f32 v49, v16;
	[tilespmem:v31+s21+$0x0] =	vst.idx.msk vm1, v42;
	vm1 =	vmand vm6, vm9  }
0xd0: {  	vm3 =	vmand vm3, vm11;
	v25 =	vadd.f32 v44, v25;
	v31 =	vadd.f32 v33, v48;
	[tilespmem:v45+s21+$0x0] =	vst.idx.msk vm4, v27;
	v33, _, _ =	vpop (xrf0)  }
0xd1: {  	v30 =	vadd.f32 v30, v32;
	v32 =	vadd.s32 v43, v33;
	v33 =	vsel vm10, v35, v12  }
0xd2: {  	v31 =	vadd.f32 v39, v31;
	v35 =	vadd.f32 v47, v16;
	vm4 =	vlt.s32 v32, v10  }
0xd3: {  	v30 =	vadd.f32 v30, v30;
	vm4 =	vmand vm5, vm4;
	vm5 =	vlt.s32 v32, v12  }
0xd4: {  	v25 =	vadd.f32 v23, v25;
	v31 =	vadd.f32 v31, v31;
	v23 =	vsel vm5, v32, v12  }
0xd5: {  	v26 =	vadd.f32 v26, v36;
	vm10 =	vlt.s32 v38, v9;
	v30 =	vsub.f32 v37, v30  }
0xd6: {  	vm6 =	vmand vm0, vm8;
	v25 =	vadd.f32 v25, v25;
	[tilespmem:v50+s22+$0x0] =	vst.idx.msk vm3, v42;
	vm3 =	vlt.s32 v38, v11  }
0xd7: {  	v26 =	vadd.f32 v41, v26;
	vm5 =	vle.f32 v30, $9.999999770e-03;
	v32 =	vsub.f32 v34, v31  }
0xd8: {  	v31 =	vsub.f32 v35, v25;
	v34 =	vadd.s32 v29, v51;
	v25 =	vsel vm3, v38, v11  }
0xd9: {  	vm0 =	vle.f32 v30, $3.999999910e-02;
	vm9 =	vlt.s32 v34, v9;
	vm11 =	vle.f32 v32, $9.999999770e-03  }
0xda: {  	v26 =	vadd.f32 v26, v26;
	v29 =	vsel vm0, $0x1, v2;
	vm8 =	vle.f32 v31, $9.999999770e-03  }
.Ltmp5:
0xdb: {  	vm12 =	vlt.s32 v34, v11;
	vm3 =	vle.f32 v31, $3.999999910e-02;
	v30 =	vsel vm8, $0x1, v2;
	(xrf0) =	vadd.scan.msk.s32 $0xffff, v29;
	(pc) =	sbr.rel @p0 .LBB2_13-.Ltmp5, $4  }
0xdc: {  	v26 =	vsub.f32 v40, v26;
	v31 =	vsel vm11, $0x1, v2;
	v29 =	vmpcnt.ones.xlane vm8;
	[tilespmem:v33+s22+$0x0] =	vst.idx.msk vm6, v27  }
0xdd: {  	vm9 =	vmand vm2, vm9;
	vm6 =	vle.f32 v32, $3.999999910e-02;
	v32 =	vsel vm5, $0x1, v2;
	(xrf0) =	vadd.scan.msk.s32 $0xffff, v30  }
0xde: {  	s20 =	sadd.s32 $0x40, s20;
	vm10 =	vmand vm7, vm10;
	vm7 =	vlt.s32 v28, v12;
	v27 =	vsel vm6, $0x1, v2;
	(xrf0) =	vadd.scan.msk.s32 $0xffff, v32  }
0xdf: {  	s5 =	sadd.s32 $0x40, s5;
	s4 =	sadd.s32 $0x40, s4;
	s3 =	sadd.s32 $0x40, s3;
	v28 =	vsel vm7, v28, v12;
	vm2 =	vle.f32 v26, $9.999999770e-03;
	v30 =	vsel vm12, v34, v11  }
0xe0: {  	vm7 =	vmmov vm11;
	v13 =	vsel vm3, $0x1, v2  }
0xe1: {  	v14 =	vadd.s32 v21, v20;
	v16 =	vadd.s32 v24, v22;
	v49 =	vmpcnt.ones.xlane vm2  }
0xe2: {  	(xrf0) =	vadd.scan.msk.s32 $0xffff, v31;
	v50 =	vmpcnt.ones.xlane vm3;
	v51 =	vor.u32 s19, v0;
	v33 =	vor.u32 s0, v0  }
0xe3: {  	s1 =	sadd.s32 $0x10, s30;
	v34 =	vmpcnt.ones.xlane vm6;
	v55 =	vsel vm2, $0x1, v2;
	v15 =	vmpcnt.ones.xlane vm7;
	v48, _, _ =	vpop (xrf0);
	(xrf0) =	vadd.scan.msk.s32 $0xffff, v27  }
0xe4: {  	s3 =	sadd.s32 $0x30, s0;
	vm11 =	vle.f32 v26, $3.999999910e-02;
	v21 =	vadd.s32 v14, v29;
	v53 =	vor.u32 s1, v0  }
0xe5: {  	v54 =	vor.u32 s3, v0;
	v57 =	vmpcnt.ones.xlane vm11;
	v15 =	vadd.s32 v21, v15;
	v52, _, _ =	vpop (xrf0);
	(xrf0) =	vadd.scan.msk.s32 $0xffff, v13  }
0xe6: {  	v58 =	vsel vm11, $0x1, v2;
	v22 =	vadd.s32 v15, v49;
	v32, _, _ =	vpop (xrf0);
	v14 =	vadd.s32 v14, v52  }
0xe7: {  	v24 =	vadd.s32 v16, v50;
	(xrf0) =	vadd.scan.msk.s32 $0xffff, v55;
	v32 =	vadd.s32 v22, v32;
	vm12 =	vlt.s32 v14, v9  }
0xe8: {  	[tilespmem:v30+s21+$0x0] =	vst.idx.msk vm9, v51;
	vm13 =	vlt.s32 v32, v9;
	vm15 =	vlt.s32 v32, v11;
	v35, _, _ =	vpop (xrf0);
	vm12 =	vmand vm8, vm12  }
0xe9: {  	[tilespmem:v25+s21+$0x0] =	vst.idx.msk vm10, v53;
	v32 =	vsel vm15, v32, v11;
	v21 =	vadd.s32 v21, v35;
	v56, _, _ =	vpop (xrf0);
	vm8 =	vmand vm5, vm13  }
0xea: {  	vm13 =	vlt.s32 v14, v11;
	v26 =	vadd.s32 v24, v56;
	v24 =	vadd.s32 v24, v34  }
0xeb: {  	v14 =	vsel vm13, v14, v11;
	vm9 =	vlt.s32 v21, v9;
	v59, _, _ =	vpop (xrf0);
	(xrf0) =	vadd.scan.msk.s32 $0xffff, v58;
	v29 =	vadd.s32 v24, v57  }
0xec: {  	[tilespmem:v23+s22+$0x0] =	vst.idx.msk vm4, v51;
	vm10 =	vlt.s32 v26, v10;
	vm4 =	vmand vm7, vm9;
	v16 =	vadd.s32 v16, v59  }
0xed: {  	v20 =	vadd.s32 v29, v48;
	v60, _, _ =	vpop (xrf0);
	vm13 =	vlt.s32 v16, v12;
	vm14 =	vlt.s32 v16, v10  }
0xee: {  	v15 =	vadd.s32 v15, v60;
	v34 =	vsel vm13, v16, v12;
	vm13 =	vlt.s32 v20, v12  }
0xef: {  	vm3 =	vmand vm3, vm14;
	vm14 =	vlt.s32 v21, v11;
	vm9 =	vlt.s32 v15, v9  }
0xf0: {  	vm15 =	vlt.s32 v15, v11;
	v61 =	vsel vm13, v20, v12;
	vm13 =	vlt.s32 v20, v10  }
0xf1: {  	v63 =	vsel vm14, v21, v11;
	vm2 =	vmand vm2, vm9;
	v27 =	vsel vm15, v15, v11;
	v62, _, _ =	vpop (xrf0)  }
0xf2: {  	[tilespmem:v28+s22+$0x0] =	vst.idx.msk vm1, v53;
	vm15 =	vmand vm6, vm10;
	vm10 =	vlt.s32 v26, v12;
	v16 =	vadd.s32 v24, v62  }
0xf3: {  	[tilespmem:v14+s21+$0x0] =	vst.idx.msk vm12, v33;
	vm13 =	vmand vm0, vm13;
	v30 =	vsel vm10, v26, v12;
	vm14 =	vlt.s32 v16, v10  }
0xf4: {  	s20 =	sadd.s32 $0x10, s0;
	[tilespmem:v32+s21+$0x0] =	vst.idx.msk vm8, v54;
	vm1 =	vmand vm11, vm14;
	vm14 =	vlt.s32 v16, v12  }
0xf5: {  	v32 =	vor.u32 s20, v0;
	[tilespmem:v34+s22+$0x0] =	vst.idx.msk vm3, v33;
	v28 =	vsel vm14, v16, v12  }
0xf6: {  	v33 =	vor.u32 s31, v0;
	[tilespmem:v63+s21+$0x0] =	vst.idx.msk vm4, v32  }
0xf7: {  	[tilespmem:v27+s21+$0x0] =	vst.idx.msk vm2, v33  }
0xf8: {  	[tilespmem:v30+s22+$0x0] =	vst.idx.msk vm15, v32  }
0xf9: {  	[tilespmem:v61+s22+$0x0] =	vst.idx.msk vm13, v54  }
0xfa: {  	[tilespmem:v28+s22+$0x0] =	vst.idx.msk vm1, v33  }
0xfb: {  	v9 =	vld [tilespmem:s29+$0x13B80];
	_ =	sdelay $0x1  }
0xfc: {  	v34 =	vmpcnt.ones.xlane vm5;
	_ =	sdelay $0x1  }
0xfd: {  	v10 =	vadd.s32 v22, v34  }
0xfe: {  	v8 =	vsub.s32 v10, v8;
	v35 =	vbroadcast v9, $0x0  }
0xff: {  	vm11 =	vgt.s32 v8, $0x0  }
0x100: {  	vm12 =	vgt.s32 v8, v0;
	v10 =	vnsel vm11, $0x0, v35  }
0x101: {  	v8 =	vsel vm12, v9, v10;
	_ =	sdelay $0x4  }
0x102: {  	v9 =	vld.idx.msk [tilespmem:v8+s2+$0x0], $0xffff  }
0x103: {  	v10 =	vld.idx.msk [tilespmem:v8+s15+$0x0], $0xffff;
	_ =	sdelay $0x1  }
0x104: {  	v8 =	vld.idx.msk [tilespmem:v8+s16+$0x0], $0xffff  }
0x105: {  	v36 =	vbroadcast v17, $0x0;
	v37 =	vbroadcast v18, $0x0  }
0x106: {  	s30 =	sshll.u32 s26, $0x6;
	v38 =	vbroadcast v19, $0x0  }
0x107: {  	v39 =	vor.u32 s30, v1;
	v9 =	vsub.f32 v9, v36;
	v10 =	vsub.f32 v10, v37  }
0x108: {  	v40 =	vor.u32 s30, v3;
	v43 =	vor.u32 s30, v4  }
0x109: {  	v8 =	vsub.f32 v8, v38;
	v41 =	vmul.f32 v9, v9;
	v42 =	vmul.f32 v10, v10  }
0x10a: {  	v44 =	vor.u32 s30, v5  }
0x10b: {  	v45 =	vmul.f32 v8, v8;
	v16 =	vadd.f32 v42, v41  }
0x10c: {  	[tilespmem:v39+s23+$0x0] =	vst.idx.msk $0xffff, v9  }
0x10d: {  	[tilespmem:v40+s23+$0x0] =	vst.idx.msk $0xffff, v10;
	v46 =	vadd.f32 v45, v16  }
0x10e: {  	[tilespmem:v43+s23+$0x0] =	vst.idx.msk $0xffff, v8  }
0x10f: {  	[tilespmem:v44+s23+$0x0] =	vst.idx.msk $0xffff, v46  }
0x110: {  	v8 =	vld [tilespmem:s28+$0x14C00];
	_ =	sdelay $0x1  }
0x111: {  	v47 =	vmpcnt.ones.xlane vm0;
	_ =	sdelay $0x1  }
0x112: {  	v9 =	vadd.s32 v29, v47  }
0x113: {  	v7 =	vsub.s32 v9, v7;
	v48 =	vbroadcast v8, $0x0  }
0x114: {  	vm13 =	vgt.s32 v7, $0x0  }
0x115: {  	vm14 =	vgt.s32 v7, v0;
	v9 =	vnsel vm13, $0x0, v48  }
0x116: {  	v8 =	vsel vm14, v8, v9;
	_ =	sdelay $0x4  }
0x117: {  	v10 =	vld.idx.msk [tilespmem:v8+s2+$0x0], $0xffff  }
0x118: {  	v14 =	vld.idx.msk [tilespmem:v8+s15+$0x0], $0xffff;
	_ =	sdelay $0x1  }
0x119: {  	v8 =	vld.idx.msk [tilespmem:v8+s16+$0x0], $0xffff;
	_ =	sdelay $0x1  }
0x11a: {  	s31 =	sshll.u32 s26, $0x7  }
0x11b: {  	v49 =	vor.u32 s31, v1;
	v10 =	vsub.f32 v10, v36;
	v14 =	vsub.f32 v14, v37  }
0x11c: {  	v50 =	vor.u32 s31, v3;
	v53 =	vor.u32 s31, v4  }
0x11d: {  	v8 =	vsub.f32 v8, v38;
	v51 =	vmul.f32 v10, v10;
	v52 =	vmul.f32 v14, v14  }
0x11e: {  	v54 =	vor.u32 s31, v5  }
0x11f: {  	v55 =	vmul.f32 v8, v8;
	v17 =	vadd.f32 v52, v51  }
0x120: {  	[tilespmem:v49+s24+$0x0] =	vst.idx.msk $0xffff, v10  }
0x121: {  	[tilespmem:v50+s24+$0x0] =	vst.idx.msk $0xffff, v14;
	v56 =	vadd.f32 v55, v17  }
0x122: {  	[tilespmem:v53+s24+$0x0] =	vst.idx.msk $0xffff, v8  }
0x123: {  	[tilespmem:v54+s24+$0x0] =	vst.idx.msk $0xffff, v56  }
0x124: {  	v8 =	vld [tilespmem:s28+$0x14C10];
	_ =	sdelay $0x3  }
0x125: {  	vm15 =	vgt.s32 v7, v6  }
0x126: {  	v7 =	vsel vm15, v8, v9;
	_ =	sdelay $0x4  }
0x127: {  	v8 =	vld.idx.msk [tilespmem:v7+s2+$0x0], $0xffff  }
0x128: {  	v9 =	vld.idx.msk [tilespmem:v7+s15+$0x0], $0xffff;
	_ =	sdelay $0x1  }
0x129: {  	v7 =	vld.idx.msk [tilespmem:v7+s16+$0x0], $0xffff;
	_ =	sdelay $0x1  }
0x12a: {  	v57 =	vor.u32 $0x40, v1;
	v58 =	vor.u32 $0x41, v1;
	v60 =	vor.u32 $0x42, v1  }
0x12b: {  	v10 =	vor.u32 s31, v57;
	v8 =	vsub.f32 v8, v36;
	v9 =	vsub.f32 v9, v37  }
0x12c: {  	v62 =	vor.u32 $0x43, v1;
	v11 =	vor.u32 s31, v58;
	v13 =	vor.u32 s31, v60  }
0x12d: {  	s26 =	sadd.s32 $0x1, s26;
	v7 =	vsub.f32 v7, v38;
	v59 =	vmul.f32 v8, v8;
	v61 =	vmul.f32 v9, v9  }
0x12e: {  	v15 =	vor.u32 s31, v62;
	p0 =	sne.s32 s26, $0x100  }
.Ltmp6:
0x12f: {  	v63 =	vmul.f32 v7, v7;
	v12 =	vadd.f32 v61, v59;
	(pc) =	sbr.rel @p0 .LBB2_12-.Ltmp6, $4  }
0x130: {  	[tilespmem:v10+s24+$0x0] =	vst.idx.msk $0xffff, v8  }
0x131: {  	[tilespmem:v11+s24+$0x0] =	vst.idx.msk $0xffff, v9;
	v8 =	vadd.f32 v63, v12  }
0x132: {  	[tilespmem:v13+s24+$0x0] =	vst.idx.msk $0xffff, v7  }
0x133: {  	[tilespmem:v15+s24+$0x0] =	vst.idx.msk $0xffff, v8  }
0x134: {  	[hbm4b:s9+s12] =	stream.strided.scatter [tilespmem:s23], [sflag:$0x1], $0x4000, s17, s12, $0x38;
	[tilespmem:$0x16C80] =	vst v63  }
0x135: {  	_ =	swait.ge [sflag:s14], $0x4000  }
0x136: {  	s25 =	sadd.s32 $0x1, s25;
	[sflag:s14] =	ssyncset.done $0x0  }
0x137: {  	p0 =	sne.s32 s25, s11;
	[sflag:s14] =	ssyncadd.s32 $0xFFFFC000  }
0x138: {  	[hbm4b:s10+s12] =	stream.strided.scatter [tilespmem:s24], [sflag:$0x1], $0x8000, s17, s12, $0x38;
	[tilespmem:$0x16C80] =	vst v63  }
.Ltmp7:
0x139: {  	_ = 	snop;
	(pc) =	sbr.rel @p0 .LBB2_1-.Ltmp7, $4  }
.Ltmp8:
0x13a: {  	_ = 	snop;
	(pc) =	sbr.rel @!p0 .LBB2_16-.Ltmp8, $4  }
0x13b: {  	_ =	swait.ge [sflag:s14], $0x8000  }
0x13c: {  	[sflag:s14] =	ssyncset.done $0x0  }
0x13d: {  	[sflag:s14] =	ssyncadd.s32 $0xFFFF8000  }
0x13e: {  	_ = 	snop  }
.LBB2_4:
.Ltmp9:
0x13f: {  	(pc) =	sbr.rel .LBB2_11-.Ltmp9, $2  }
0x140: {  	_ =	sdelay $0x2  }
0x141: {  	s1 =	simm.s32 $0x0  }
.LBB2_6:
.Ltmp10:
0x142: {  	(pc) =	sbr.rel .LBB2_11-.Ltmp10, $2  }
0x143: {  	_ =	sdelay $0x2  }
0x144: {  	v17 =	vmov v7;
	s1 =	simm.s32 $0x10;
	v7 =	vmov v8  }
.LBB2_8:
.Ltmp11:
0x145: {  	(pc) =	sbr.rel .LBB2_11-.Ltmp11, $2  }
0x146: {  	_ =	sdelay $0x2  }
0x147: {  	v13 =	vmov v9;
	s4 =	simm.s32 $0x0;
	s0 =	simm.s32 $0x10;
	v17 =	vmov v8;
	v9 =	vmov v15  }
.LBB2_16:
0x148: {  	_ =	sfence.sel $0x180000  }
0x149: {  	[bflag:$0x0] =	sbarrier.arrive $0xFFFF  }
0x14a: {  	_ =	strace $0x90000047  }
0x14b: {  	s0 =	stileid.u32;
	[bflag:$0x2] =	sbarrier.arrive $0xFFFF  }
0x14c: {  	p0 =	sne.s32 s0, $0x0;
	s0 =	rddreg [dreg:$0x2]  }
0x14d: {  	s0 =	sadd.s32 @!p0 $0x100000, s0  }
0x14e: {  	[sflag:s0] =	ssyncadd.tile.s32 @!p0 $0x1;
	_ =	shalt  }
.Lfunc_end2:
_tile_overlayer_lowered:
.L_overlay_start_2:
0x14f: {  	(tag) =	ssettag $0x2  }
0x150: {  	s0 =	rddreg [dreg:$0x0];
	s2 =	stileid.u32  }
0x151: {  	s1 =	rddreg [dreg:$0x1];
	p0 =	sne.s32 s2, $0x0  }
0x152: {  	s3 =	rddreg [dreg:$0x2];
	[bflag:$0x3] =	sbarrier.arrive $0xFFFF;
	s2 =	simm.s32 @!p0 $0x1C01  }
0x153: {  	[timem:s3], [sflag:s2] =	dma.local @!p0 [hbm:s0], s1  }
0x154: {  	s0 =	simm.s32 @!p0 $0x1  }
0x155: {  	_ =	swait.ge @!p0 [sflag:s0], s1  }
0x156: {  	s1 =	ssub.s32 @!p0 $0x0, s1;
	[sflag:s0] =	ssyncset.done @!p0 $0x0  }
0x157: {  	[sflag:s0] =	ssyncadd.s32 @!p0 s1  }
0x158: {  	[bflag:$0x3] =	sbarrier.arrive $0xFFFF  }
0x159: {  	_ =	shalt  }

</sc_bundles>
